<compile_context>
chip_gen: v7x
topology: tpu7x:2x2x1
jax: 0.10.2.dev20260603
libtpu: 0.0.44.dev20260713+nightly
codegen_flags: <defaults>
</compile_context>

<pallas_src>
import functools

import jax
import jax.numpy as jnp
from jax import lax
from jax.experimental import pallas as pl
from jax.experimental.pallas import tpu as pltpu
from jax.experimental.pallas import tpu_sc as plsc

_N = 10000
_E = 320000
_D = 128
_H = 64
_C = 64
_NCHUNK = _E // _C
_NSUB = 16
_GSTEPS = (_NCHUNK + _NSUB - 1) // _NSUB
_ROWS_PER_SUB = _N // _NSUB

_f32 = jnp.float32



def _proj_body(h_ref, w_ref, b_ref, o_ref):
    o_ref[...] = (
        jnp.dot(h_ref[...], w_ref[...], preferred_element_type=_f32)
        + b_ref[0:1, :]
    )


def _proj_call(h, wcat, bcat):
    bn = 2000
    grid = (_N // bn,)
    return pl.pallas_call(
        _proj_body,
        grid=grid,
        in_specs=[
            pl.BlockSpec((bn, _D), lambda i: (i, 0)),
            pl.BlockSpec((_D, 512), lambda i: (0, 0)),
            pl.BlockSpec((8, 512), lambda i: (0, 0)),
        ],
        out_specs=pl.BlockSpec((bn, 512), lambda i: (i, 0)),
        out_shape=jax.ShapeDtypeStruct((_N, 512), _f32),
    )(h, wcat, bcat)



def _ce_body(e_ref, w_ref, b_ref, o_ref):
    o_ref[...] = (
        jnp.dot(e_ref[...], w_ref[...], preferred_element_type=_f32)
        + b_ref[0:1, :]
    )


def _ce_call(e, wt, b):
    be = 3200
    grid = (_E // be,)
    return pl.pallas_call(
        _ce_body,
        grid=grid,
        in_specs=[
            pl.BlockSpec((be, _D), lambda i: (i, 0)),
            pl.BlockSpec((_D, _D), lambda i: (0, 0)),
            pl.BlockSpec((8, _D), lambda i: (0, 0)),
        ],
        out_specs=pl.BlockSpec((be, _D), lambda i: (i, 0)),
        out_shape=jax.ShapeDtypeStruct((_E, _D), _f32),
    )(e, wt, b)



def _edge_body(tsrc_hbm, tdst_hbm, ce_hbm, ei_hbm, sb_hbm,
               eout_hbm, num_hbm, den_hbm,
               srcoff_v, dst_v, dstoff_v, sb_v,
               tsrc_b, tdst_b, ce_b, ms_b,
               acc, sem_a, sem_b):
    c = lax.axis_index("c")
    s = lax.axis_index("s")

    pltpu.sync_copy(sb_hbm.at[c], sb_v)

    def _zfill(r, carry):
        z = jnp.zeros((16,), _f32)
        for j in range(_D // 16):
            ms_b[r, pl.ds(j * 16, 16)] = z
        return carry
    lax.fori_loop(0, _C, _zfill, None)
    row0 = s * _ROWS_PER_SUB
    for k in range(_ROWS_PER_SUB // _C):
        pltpu.sync_copy(ms_b.at[pl.ds(0, _C)],
                        acc.at[pl.ds(row0 + k * _C, _C)])
    _rem = _ROWS_PER_SUB % _C
    if _rem:
        pltpu.sync_copy(ms_b.at[pl.ds(0, _rem)],
                        acc.at[pl.ds(row0 + (_ROWS_PER_SUB // _C) * _C, _rem)])
    plsc.subcore_barrier()

    off_vec = jnp.broadcast_to((c * _N).astype(jnp.int32), (16,))

    scs = [sb_v[0, pl.ds(j * 16, 16)] for j in range(_H // 16)]
    bis = [sb_v[1, pl.ds(j * 16, 16)] for j in range(_H // 16)]

    def _chunk(g, carry):
        cid = g * _NSUB + s

        @pl.when(cid < _NCHUNK)
        def _():
            base = cid * _C
            pltpu.sync_copy(ei_hbm.at[0, pl.ds(base, _C)], srcoff_v)
            pltpu.sync_copy(ei_hbm.at[1, pl.ds(base, _C)], dst_v)

            def _off(i, carry2):
                sl = pl.ds(i * 16, 16)
                srcoff_v[sl] = srcoff_v[sl] + off_vec
                dstoff_v[sl] = dst_v[sl] + off_vec
                return carry2
            lax.fori_loop(0, _C // 16, _off, None)

            cp1 = pltpu.async_copy(tsrc_hbm.at[srcoff_v], tsrc_b, sem_a)
            cp2 = pltpu.async_copy(tdst_hbm.at[dstoff_v], tdst_b, sem_b)

            @pl.when(c == 0)
            def _():
                pltpu.sync_copy(ce_hbm.at[pl.ds(base, _C), pl.ds(0, _H)], ce_b)

            @pl.when(c == 1)
            def _():
                pltpu.sync_copy(ce_hbm.at[pl.ds(base, _C), pl.ds(_H, _H)], ce_b)

            cp1.wait()
            cp2.wait()

            def _row(r, carry2):
                for j in range(_H // 16):
                    sl = pl.ds(j * 16, 16)
                    eij = ce_b[r, sl] + tsrc_b[r, sl] + tdst_b[r, sl]
                    sg = 1.0 / (1.0 + jnp.exp(-eij))
                    ce_b[r, sl] = jnp.maximum(eij * scs[j] + bis[j], 0.0)
                    ms_b[r, sl] = sg * tsrc_b[r, pl.ds(_H + j * 16, 16)]
                    ms_b[r, pl.ds(_H + j * 16, 16)] = sg
                return carry2
            lax.fori_loop(0, _C, _row, None)

            pltpu.sync_copy(ms_b, acc.at[dst_v], add=True)

            @pl.when(c == 0)
            def _():
                pltpu.sync_copy(ce_b, eout_hbm.at[pl.ds(base, _C), pl.ds(0, _H)])

            @pl.when(c == 1)
            def _():
                pltpu.sync_copy(ce_b, eout_hbm.at[pl.ds(base, _C), pl.ds(_H, _H)])
        return carry
    lax.fori_loop(0, _GSTEPS, _chunk, None)

    plsc.subcore_barrier()

    rows = pl.ds(row0, _ROWS_PER_SUB)

    @pl.when(c == 0)
    def _():
        pltpu.sync_copy(acc.at[rows, pl.ds(0, _H)], num_hbm.at[rows, pl.ds(0, _H)])
        pltpu.sync_copy(acc.at[rows, pl.ds(_H, _H)], den_hbm.at[rows, pl.ds(0, _H)])

    @pl.when(c == 1)
    def _():
        pltpu.sync_copy(acc.at[rows, pl.ds(0, _H)], num_hbm.at[rows, pl.ds(_H, _H)])
        pltpu.sync_copy(acc.at[rows, pl.ds(_H, _H)], den_hbm.at[rows, pl.ds(_H, _H)])


def _edge_call(tsrc, tdst, ce, ei, sb):
    mesh = plsc.VectorSubcoreMesh(core_axis_name="c", subcore_axis_name="s")
    f = functools.partial(
        pl.kernel,
        mesh=mesh,
        compiler_params=pltpu.CompilerParams(use_tc_tiling_on_sc=False),
        out_type=[
            jax.ShapeDtypeStruct((_E, _D), _f32),
            jax.ShapeDtypeStruct((_N, _D), _f32),
            jax.ShapeDtypeStruct((_N, _D), _f32),
        ],
        scratch_types=[
            pltpu.VMEM((_C,), jnp.int32),
            pltpu.VMEM((_C,), jnp.int32),
            pltpu.VMEM((_C,), jnp.int32),
            pltpu.VMEM((2, _H), _f32),
            pltpu.VMEM((_C, _D), _f32),
            pltpu.VMEM((_C, _H), _f32),
            pltpu.VMEM((_C, _H), _f32),
            pltpu.VMEM((_C, _D), _f32),
            pltpu.VMEM_SHARED((_N, _D), _f32),
            pltpu.SemaphoreType.DMA,
            pltpu.SemaphoreType.DMA,
        ],
    )(_edge_body)
    return f(tsrc, tdst, ce, ei, sb)



def _final_body(ah_ref, num_ref, den_ref, sc_ref, bi_ref, o_ref):
    hn = ah_ref[...] + num_ref[...] / (den_ref[...] + 1e-6)
    o_ref[...] = jnp.maximum(hn * sc_ref[0:1, :] + bi_ref[0:1, :], 0.0)


def _final_call(ah, num, den, scale, bias):
    bn = 2000
    grid = (_N // bn,)
    return pl.pallas_call(
        _final_body,
        grid=grid,
        in_specs=[
            pl.BlockSpec((bn, _D), lambda i: (i, 0)),
            pl.BlockSpec((bn, _D), lambda i: (i, 0)),
            pl.BlockSpec((bn, _D), lambda i: (i, 0)),
            pl.BlockSpec((8, _D), lambda i: (0, 0)),
            pl.BlockSpec((8, _D), lambda i: (0, 0)),
        ],
        out_specs=pl.BlockSpec((bn, _D), lambda i: (i, 0)),
        out_shape=jax.ShapeDtypeStruct((_N, _D), _f32),
    )(ah, num, den, scale, bias)



def kernel(h, e, edge_index, A_w, A_b, B_w, B_b, C_w, C_b, D_w, D_b, E_w, E_b,
           bn_h_w, bn_h_b, bn_h_mean, bn_h_var, bn_e_w, bn_e_b, bn_e_mean,
           bn_e_var):
    wcat = jnp.concatenate([D_w.T, B_w.T, E_w.T, A_w.T], axis=1)
    bcat = jnp.broadcast_to(
        jnp.concatenate([D_b, B_b, E_b, A_b])[None, :], (8, 512))

    proj = _proj_call(h, wcat, bcat)
    dh = proj[:, 0:128]
    bh = proj[:, 128:256]
    eh = proj[:, 256:384]
    ah = proj[:, 384:512]

    tsrc = jnp.concatenate(
        [jnp.concatenate([dh[:, :_H], bh[:, :_H]], axis=1),
         jnp.concatenate([dh[:, _H:], bh[:, _H:]], axis=1)], axis=0)
    tdst = jnp.concatenate([eh[:, :_H], eh[:, _H:]], axis=0)

    ce = _ce_call(e, C_w.T, jnp.broadcast_to(C_b[None, :], (8, _D)))

    sc_h = bn_h_w / jnp.sqrt(bn_h_var + 1e-5)
    bi_h = bn_h_b - bn_h_mean * sc_h
    sc_e = bn_e_w / jnp.sqrt(bn_e_var + 1e-5)
    bi_e = bn_e_b - bn_e_mean * sc_e
    sb = jnp.stack([jnp.stack([sc_e[:_H], bi_e[:_H]]),
                    jnp.stack([sc_e[_H:], bi_e[_H:]])])

    ei = edge_index.astype(jnp.int32)

    e_out, num, den = _edge_call(tsrc, tdst, ce, ei, sb)

    h_out = _final_call(ah, num, den,
                        jnp.broadcast_to(sc_h[None, :], (8, _D)),
                        jnp.broadcast_to(bi_h[None, :], (8, _D)))
    return (h_out, e_out)

# --- scband reference (transcript-rebuilt; emitter-appended) ---
"""Pipeline reference for scband-gated-gcnnet-46986942218357 (READ-ONLY COPY).

The authoritative reference and input builder live on the scoring server;
editing this copy changes nothing except your own understanding.
"""

import jax, jax.numpy as jnp
import numpy as np

N = 10000
E = 320000
D = 128


def setup_inputs(seed: int = 0) -> dict:
    key = jax.random.key(seed)
    ks = jax.random.split(key, 16)
    scale = 1.0 / np.sqrt(D)
    inp = {}
    inp["h"] = jax.random.normal(ks[0], (N, D), dtype=jnp.float32)
    inp["e"] = jax.random.normal(ks[1], (E, D), dtype=jnp.float32)
    inp["edge_index"] = jax.random.randint(ks[2], (2, E), 0, N)
    inp["A_w"] = jax.random.normal(ks[3], (D, D), dtype=jnp.float32) * scale
    inp["A_b"] = jax.random.normal(ks[4], (D,), dtype=jnp.float32) * 0.01
    inp["B_w"] = jax.random.normal(ks[5], (D, D), dtype=jnp.float32) * scale
    inp["B_b"] = jax.random.normal(ks[6], (D,), dtype=jnp.float32) * 0.01
    inp["C_w"] = jax.random.normal(ks[7], (D, D), dtype=jnp.float32) * scale
    inp["C_b"] = jax.random.normal(ks[8], (D,), dtype=jnp.float32) * 0.01
    inp["D_w"] = jax.random.normal(ks[9], (D, D), dtype=jnp.float32) * scale
    inp["D_b"] = jax.random.normal(ks[10], (D,), dtype=jnp.float32) * 0.01
    inp["E_w"] = jax.random.normal(ks[11], (D, D), dtype=jnp.float32) * scale
    inp["E_b"] = jax.random.normal(ks[12], (D,), dtype=jnp.float32) * 0.01
    inp["bn_h_w"] = jnp.ones((D,), dtype=jnp.float32)
    inp["bn_h_b"] = jnp.zeros((D,), dtype=jnp.float32)
    inp["bn_h_mean"] = jnp.zeros((D,), dtype=jnp.float32)
    inp["bn_h_var"] = jnp.ones((D,), dtype=jnp.float32)
    inp["bn_e_w"] = jnp.ones((D,), dtype=jnp.float32)
    inp["bn_e_b"] = jnp.zeros((D,), dtype=jnp.float32)
    inp["bn_e_mean"] = jnp.zeros((D,), dtype=jnp.float32)
    inp["bn_e_var"] = jnp.ones((D,), dtype=jnp.float32)
    return inp


def _bn(x, w, b, mean, var, eps=1e-5):
    return w * (x - mean) / jnp.sqrt(var + eps) + b


def reference(h, e, edge_index, A_w, A_b, B_w, B_b, C_w, C_b, D_w, D_b, E_w, E_b,
              bn_h_w, bn_h_b, bn_h_mean, bn_h_var, bn_e_w, bn_e_b, bn_e_mean, bn_e_var):
    src = edge_index[0]
    dst = edge_index[1]
    # Node/edge linear projections (GatedGCNLayer A,B,C,D,E linears)
    Ah = h @ A_w.T + A_b
    Bh = h @ B_w.T + B_b
    Dh = h @ D_w.T + D_b
    Eh = h @ E_w.T + E_b
    Ce = e @ C_w.T + C_b
    # message_func: e_ij = Ce + Dh[src] + Eh[dst]; Bh_j = Bh[src]
    e_ij = Ce + Dh[src] + Eh[dst]
    sigma_ij = jax.nn.sigmoid(e_ij)
    Bh_j = Bh[src]
    # reduce_func at dst nodes: gated mean aggregation
    num = jax.ops.segment_sum(sigma_ij * Bh_j, dst, num_segments=N)
    den = jax.ops.segment_sum(sigma_ij, dst, num_segments=N)
    h_new = Ah + num / (den + 1e-6)
    # inference-mode batch norm with running stats, then ReLU
    h_out = jax.nn.relu(_bn(h_new, bn_h_w, bn_h_b, bn_h_mean, bn_h_var))
    e_out = jax.nn.relu(_bn(e_ij, bn_e_w, bn_e_b, bn_e_mean, bn_e_var))
    return (h_out, e_out)

if __name__ == "__main__":
    import jax
    _d = setup_inputs()
    print(jax.jit(kernel)(*tuple(_d.values())))

</pallas_src>

<mosaic_0001>
#map = affine_map<(d0, d1) -> (0, 0)>
#map1 = affine_map<(d0, d1) -> (0, 0, 0)>
module attributes {stable_mosaic.version = 14 : i64} {
  func.func @_edge_body(%arg0: i32, %arg1: i32, %arg2: memref<20000x128xf32, #tpu.memory_space<hbm>>, %arg3: memref<20000x64xf32, #tpu.memory_space<hbm>>, %arg4: memref<320000x128xf32, #tpu.memory_space<hbm>>, %arg5: memref<2x320000xi32, #tpu.memory_space<hbm>>, %arg6: memref<2x2x64xf32, #tpu.memory_space<hbm>>, %arg7: memref<320000x128xf32, #tpu.memory_space<hbm>>, %arg8: memref<10000x128xf32, #tpu.memory_space<hbm>>, %arg9: memref<10000x128xf32, #tpu.memory_space<hbm>>, %arg10: memref<64xi32, #tpu.memory_space<vmem>>, %arg11: memref<64xi32, #tpu.memory_space<vmem>>, %arg12: memref<64xi32, #tpu.memory_space<vmem>>, %arg13: memref<2x64xf32, #tpu.memory_space<vmem>>, %arg14: memref<64x128xf32, #tpu.memory_space<vmem>>, %arg15: memref<64x64xf32, #tpu.memory_space<vmem>>, %arg16: memref<64x64xf32, #tpu.memory_space<vmem>>, %arg17: memref<64x128xf32, #tpu.memory_space<vmem>>, %arg18: memref<10000x128xf32, #tpu.memory_space<vmem_shared>>, %arg19: memref<!tpu.dma_semaphore, #tpu.memory_space<semaphore_mem>>, %arg20: memref<!tpu.dma_semaphore, #tpu.memory_space<semaphore_mem>>) attributes {dimension_semantics = [#tpu.dimension_semantics<core_parallel>, #tpu.dimension_semantics<subcore_parallel>], iteration_bounds = array<i64: 2, 16>, scalar_prefetch = 0 : i64, scratch_operands = 11 : i64, tpu.core_type = #tpu.core_type<sc_vector_subcore>, window_params = [{transform_indices = #map}, {transform_indices = #map}, {transform_indices = #map}, {transform_indices = #map}, {transform_indices = #map1}, {transform_indices = #map}, {transform_indices = #map}, {transform_indices = #map}]} {
    "tpu.region"() ({
      %run_scoped3A = tpu.sem_alloc : memref<!tpu.dma_semaphore, #tpu.memory_space<semaphore_mem>>
      %dma_start3A = arith.constant 0 : i32
      %dma_start3A_78 = arith.constant 0 : i32
      %dma_start3A_79 = tpu.memref_slice %arg6[%arg0, %dma_start3A, %dma_start3A_78] : memref<2x2x64xf32, #tpu.memory_space<hbm>> -> memref<1x2x64xf32, #tpu.memory_space<hbm>>
      %dma_start3A_80 = tpu.memref_squeeze %dma_start3A_79 : memref<1x2x64xf32, #tpu.memory_space<hbm>> -> memref<2x64xf32, #tpu.memory_space<hbm>>
      %dma_start3A_81 = arith.constant 0 : i32
      %dma_start3A_82 = arith.constant 0 : i32
      %dma_start3A_83 = tpu.memref_slice %arg6[%arg0, %dma_start3A_81, %dma_start3A_82] : memref<2x2x64xf32, #tpu.memory_space<hbm>> -> memref<1x2x64xf32, #tpu.memory_space<hbm>>
      %dma_start3A_84 = tpu.memref_squeeze %dma_start3A_83 : memref<1x2x64xf32, #tpu.memory_space<hbm>> -> memref<2x64xf32, #tpu.memory_space<hbm>>
      tpu.enqueue_dma source(%dma_start3A_84 : memref<2x64xf32, #tpu.memory_space<hbm>>) target(%arg13 : memref<2x64xf32, #tpu.memory_space<vmem>>) target_semaphore(%run_scoped3A : memref<!tpu.dma_semaphore, #tpu.memory_space<semaphore_mem>>)
      %dma_wait3A = arith.constant 0 : i32
      %dma_wait3A_85 = arith.constant 0 : i32
      %dma_wait3A_86 = tpu.memref_slice %arg6[%arg0, %dma_wait3A, %dma_wait3A_85] : memref<2x2x64xf32, #tpu.memory_space<hbm>> -> memref<1x2x64xf32, #tpu.memory_space<hbm>>
      %dma_wait3A_87 = tpu.memref_squeeze %dma_wait3A_86 : memref<1x2x64xf32, #tpu.memory_space<hbm>> -> memref<2x64xf32, #tpu.memory_space<hbm>>
      %dma_wait3A_88 = arith.constant 0 : i32
      %dma_wait3A_89 = arith.constant 0 : i32
      %dma_wait3A_90 = tpu.memref_slice %arg6[%arg0, %dma_wait3A_88, %dma_wait3A_89] : memref<2x2x64xf32, #tpu.memory_space<hbm>> -> memref<1x2x64xf32, #tpu.memory_space<hbm>>
      %dma_wait3A_91 = tpu.memref_squeeze %dma_wait3A_90 : memref<1x2x64xf32, #tpu.memory_space<hbm>> -> memref<2x64xf32, #tpu.memory_space<hbm>>
      tpu.wait_dma2 semaphore(%run_scoped3A : memref<!tpu.dma_semaphore, #tpu.memory_space<semaphore_mem>>) src(%dma_wait3A_91 : memref<2x64xf32, #tpu.memory_space<hbm>>) dst(%arg13 : memref<2x64xf32, #tpu.memory_space<vmem>>)
      tpu.yield
    }) : () -> ()
    %scan3A = arith.constant 0 : i32
    %scan3A_0 = arith.constant 64 : i32
    %scan3A_1 = arith.addi %scan3A, %scan3A_0 : i32
    %scan3A_2 = arith.constant 1 : i32
    scf.for %scan3A_78 = %scan3A to %scan3A_1 step %scan3A_2  : i32 {
      %broadcast_in_dim3A_79 = arith.constant 0.000000e+00 : f32
      %broadcast_in_dim3A_80 = vector.broadcast %broadcast_in_dim3A_79 : f32 to vector<16xf32>
      %swap3A = arith.index_cast %scan3A_78 : i32 to index
      %swap3A_81 = arith.constant 0 : index
      %swap3A_82 = tpu.vector_load %arg17[%swap3A, %swap3A_81] {strides = array<i32>} : memref<64x128xf32, #tpu.memory_space<vmem>>, vector<1x16xf32>,
      %swap3A_83 = vector.shape_cast %swap3A_82 : vector<1x16xf32> to vector<16xf32>
      %swap3A_84 = vector.shape_cast %broadcast_in_dim3A_80 : vector<16xf32> to vector<1x16xf32>
      tpu.vector_store %arg17[%swap3A, %swap3A_81], %swap3A_84 {strides = array<i32>} : memref<64x128xf32, #tpu.memory_space<vmem>>, vector<1x16xf32>,
      %swap3A_85 = arith.index_cast %scan3A_78 : i32 to index
      %swap3A_86 = arith.constant 16 : index
      %swap3A_87 = tpu.vector_load %arg17[%swap3A_85, %swap3A_86] {strides = array<i32>} : memref<64x128xf32, #tpu.memory_space<vmem>>, vector<1x16xf32>,
      %swap3A_88 = vector.shape_cast %swap3A_87 : vector<1x16xf32> to vector<16xf32>
      %swap3A_89 = vector.shape_cast %broadcast_in_dim3A_80 : vector<16xf32> to vector<1x16xf32>
      tpu.vector_store %arg17[%swap3A_85, %swap3A_86], %swap3A_89 {strides = array<i32>} : memref<64x128xf32, #tpu.memory_space<vmem>>, vector<1x16xf32>,
      %swap3A_90 = arith.index_cast %scan3A_78 : i32 to index
      %swap3A_91 = arith.constant 32 : index
      %swap3A_92 = tpu.vector_load %arg17[%swap3A_90, %swap3A_91] {strides = array<i32>} : memref<64x128xf32, #tpu.memory_space<vmem>>, vector<1x16xf32>,
      %swap3A_93 = vector.shape_cast %swap3A_92 : vector<1x16xf32> to vector<16xf32>
      %swap3A_94 = vector.shape_cast %broadcast_in_dim3A_80 : vector<16xf32> to vector<1x16xf32>
      tpu.vector_store %arg17[%swap3A_90, %swap3A_91], %swap3A_94 {strides = array<i32>} : memref<64x128xf32, #tpu.memory_space<vmem>>, vector<1x16xf32>,
      %swap3A_95 = arith.index_cast %scan3A_78 : i32 to index
      %swap3A_96 = arith.constant 48 : index
      %swap3A_97 = tpu.vector_load %arg17[%swap3A_95, %swap3A_96] {strides = array<i32>} : memref<64x128xf32, #tpu.memory_space<vmem>>, vector<1x16xf32>,
      %swap3A_98 = vector.shape_cast %swap3A_97 : vector<1x16xf32> to vector<16xf32>
      %swap3A_99 = vector.shape_cast %broadcast_in_dim3A_80 : vector<16xf32> to vector<1x16xf32>
      tpu.vector_store %arg17[%swap3A_95, %swap3A_96], %swap3A_99 {strides = array<i32>} : memref<64x128xf32, #tpu.memory_space<vmem>>, vector<1x16xf32>,
      %swap3A_100 = arith.index_cast %scan3A_78 : i32 to index
      %swap3A_101 = arith.constant 64 : index
      %swap3A_102 = tpu.vector_load %arg17[%swap3A_100, %swap3A_101] {strides = array<i32>} : memref<64x128xf32, #tpu.memory_space<vmem>>, vector<1x16xf32>,
      %swap3A_103 = vector.shape_cast %swap3A_102 : vector<1x16xf32> to vector<16xf32>
      %swap3A_104 = vector.shape_cast %broadcast_in_dim3A_80 : vector<16xf32> to vector<1x16xf32>
      tpu.vector_store %arg17[%swap3A_100, %swap3A_101], %swap3A_104 {strides = array<i32>} : memref<64x128xf32, #tpu.memory_space<vmem>>, vector<1x16xf32>,
      %swap3A_105 = arith.index_cast %scan3A_78 : i32 to index
      %swap3A_106 = arith.constant 80 : index
      %swap3A_107 = tpu.vector_load %arg17[%swap3A_105, %swap3A_106] {strides = array<i32>} : memref<64x128xf32, #tpu.memory_space<vmem>>, vector<1x16xf32>,
      %swap3A_108 = vector.shape_cast %swap3A_107 : vector<1x16xf32> to vector<16xf32>
      %swap3A_109 = vector.shape_cast %broadcast_in_dim3A_80 : vector<16xf32> to vector<1x16xf32>
      tpu.vector_store %arg17[%swap3A_105, %swap3A_106], %swap3A_109 {strides = array<i32>} : memref<64x128xf32, #tpu.memory_space<vmem>>, vector<1x16xf32>,
      %swap3A_110 = arith.index_cast %scan3A_78 : i32 to index
      %swap3A_111 = arith.constant 96 : index
      %swap3A_112 = tpu.vector_load %arg17[%swap3A_110, %swap3A_111] {strides = array<i32>} : memref<64x128xf32, #tpu.memory_space<vmem>>, vector<1x16xf32>,
      %swap3A_113 = vector.shape_cast %swap3A_112 : vector<1x16xf32> to vector<16xf32>
      %swap3A_114 = vector.shape_cast %broadcast_in_dim3A_80 : vector<16xf32> to vector<1x16xf32>
      tpu.vector_store %arg17[%swap3A_110, %swap3A_111], %swap3A_114 {strides = array<i32>} : memref<64x128xf32, #tpu.memory_space<vmem>>, vector<1x16xf32>,
      %swap3A_115 = arith.index_cast %scan3A_78 : i32 to index
      %swap3A_116 = arith.constant 112 : index
      %swap3A_117 = tpu.vector_load %arg17[%swap3A_115, %swap3A_116] {strides = array<i32>} : memref<64x128xf32, #tpu.memory_space<vmem>>, vector<1x16xf32>,
      %swap3A_118 = vector.shape_cast %swap3A_117 : vector<1x16xf32> to vector<16xf32>
      %swap3A_119 = vector.shape_cast %broadcast_in_dim3A_80 : vector<16xf32> to vector<1x16xf32>
      tpu.vector_store %arg17[%swap3A_115, %swap3A_116], %swap3A_119 {strides = array<i32>} : memref<64x128xf32, #tpu.memory_space<vmem>>, vector<1x16xf32>,
    }
    %scan3A_3 = arith.constant 64 : i32
    %mul3A = arith.constant 625 : i32
    %mul3A_4 = arith.muli %arg1, %mul3A : i32
    %add3A = arith.constant 0 : i32
    %add3A_5 = arith.addi %mul3A_4, %add3A : i32
    "tpu.region"() ({
      %run_scoped3A = tpu.sem_alloc : memref<!tpu.dma_semaphore, #tpu.memory_space<semaphore_mem>>
      %dma_start3A = arith.constant 0 : i32
      %dma_start3A_78 = arith.constant 0 : i32
      %dma_start3A_79 = tpu.memref_slice %arg17[%dma_start3A, %dma_start3A_78] : memref<64x128xf32, #tpu.memory_space<vmem>> -> memref<64x128xf32, #tpu.memory_space<vmem>>
      %dma_start3A_80 = arith.constant 0 : i32
      %dma_start3A_81 = tpu.memref_slice %arg18[%add3A_5, %dma_start3A_80] : memref<10000x128xf32, #tpu.memory_space<vmem_shared>> -> memref<64x128xf32, #tpu.memory_space<vmem_shared>>
      %dma_start3A_82 = arith.constant 0 : i32
      %dma_start3A_83 = tpu.memref_slice %arg18[%add3A_5, %dma_start3A_82] : memref<10000x128xf32, #tpu.memory_space<vmem_shared>> -> memref<64x128xf32, #tpu.memory_space<vmem_shared>>
      %dma_start3A_84 = arith.constant 0 : i32
      %dma_start3A_85 = arith.constant 0 : i32
      %dma_start3A_86 = tpu.memref_slice %arg17[%dma_start3A_84, %dma_start3A_85] : memref<64x128xf32, #tpu.memory_space<vmem>> -> memref<64x128xf32, #tpu.memory_space<vmem>>
      tpu.enqueue_dma source(%dma_start3A_86 : memref<64x128xf32, #tpu.memory_space<vmem>>) target(%dma_start3A_83 : memref<64x128xf32, #tpu.memory_space<vmem_shared>>) target_semaphore(%run_scoped3A : memref<!tpu.dma_semaphore, #tpu.memory_space<semaphore_mem>>)
      %dma_wait3A = arith.constant 0 : i32
      %dma_wait3A_87 = arith.constant 0 : i32
      %dma_wait3A_88 = tpu.memref_slice %arg17[%dma_wait3A, %dma_wait3A_87] : memref<64x128xf32, #tpu.memory_space<vmem>> -> memref<64x128xf32, #tpu.memory_space<vmem>>
      %dma_wait3A_89 = arith.constant 0 : i32
      %dma_wait3A_90 = tpu.memref_slice %arg18[%add3A_5, %dma_wait3A_89] : memref<10000x128xf32, #tpu.memory_space<vmem_shared>> -> memref<64x128xf32, #tpu.memory_space<vmem_shared>>
      %dma_wait3A_91 = arith.constant 0 : i32
      %dma_wait3A_92 = tpu.memref_slice %arg18[%add3A_5, %dma_wait3A_91] : memref<10000x128xf32, #tpu.memory_space<vmem_shared>> -> memref<64x128xf32, #tpu.memory_space<vmem_shared>>
      %dma_wait3A_93 = arith.constant 0 : i32
      %dma_wait3A_94 = arith.constant 0 : i32
      %dma_wait3A_95 = tpu.memref_slice %arg17[%dma_wait3A_93, %dma_wait3A_94] : memref<64x128xf32, #tpu.memory_space<vmem>> -> memref<64x128xf32, #tpu.memory_space<vmem>>
      tpu.wait_dma2 semaphore(%run_scoped3A : memref<!tpu.dma_semaphore, #tpu.memory_space<semaphore_mem>>) src(%dma_wait3A_95 : memref<64x128xf32, #tpu.memory_space<vmem>>) dst(%dma_wait3A_92 : memref<64x128xf32, #tpu.memory_space<vmem_shared>>)
      tpu.yield
    }) : () -> ()
    %add3A_6 = arith.constant 64 : i32
    %add3A_7 = arith.addi %mul3A_4, %add3A_6 : i32
    "tpu.region"() ({
      %run_scoped3A = tpu.sem_alloc : memref<!tpu.dma_semaphore, #tpu.memory_space<semaphore_mem>>
      %dma_start3A = arith.constant 0 : i32
      %dma_start3A_78 = arith.constant 0 : i32
      %dma_start3A_79 = tpu.memref_slice %arg17[%dma_start3A, %dma_start3A_78] : memref<64x128xf32, #tpu.memory_space<vmem>> -> memref<64x128xf32, #tpu.memory_space<vmem>>
      %dma_start3A_80 = arith.constant 0 : i32
      %dma_start3A_81 = tpu.memref_slice %arg18[%add3A_7, %dma_start3A_80] : memref<10000x128xf32, #tpu.memory_space<vmem_shared>> -> memref<64x128xf32, #tpu.memory_space<vmem_shared>>
      %dma_start3A_82 = arith.constant 0 : i32
      %dma_start3A_83 = tpu.memref_slice %arg18[%add3A_7, %dma_start3A_82] : memref<10000x128xf32, #tpu.memory_space<vmem_shared>> -> memref<64x128xf32, #tpu.memory_space<vmem_shared>>
      %dma_start3A_84 = arith.constant 0 : i32
      %dma_start3A_85 = arith.constant 0 : i32
      %dma_start3A_86 = tpu.memref_slice %arg17[%dma_start3A_84, %dma_start3A_85] : memref<64x128xf32, #tpu.memory_space<vmem>> -> memref<64x128xf32, #tpu.memory_space<vmem>>
      tpu.enqueue_dma source(%dma_start3A_86 : memref<64x128xf32, #tpu.memory_space<vmem>>) target(%dma_start3A_83 : memref<64x128xf32, #tpu.memory_space<vmem_shared>>) target_semaphore(%run_scoped3A : memref<!tpu.dma_semaphore, #tpu.memory_space<semaphore_mem>>)
      %dma_wait3A = arith.constant 0 : i32
      %dma_wait3A_87 = arith.constant 0 : i32
      %dma_wait3A_88 = tpu.memref_slice %arg17[%dma_wait3A, %dma_wait3A_87] : memref<64x128xf32, #tpu.memory_space<vmem>> -> memref<64x128xf32, #tpu.memory_space<vmem>>
      %dma_wait3A_89 = arith.constant 0 : i32
      %dma_wait3A_90 = tpu.memref_slice %arg18[%add3A_7, %dma_wait3A_89] : memref<10000x128xf32, #tpu.memory_space<vmem_shared>> -> memref<64x128xf32, #tpu.memory_space<vmem_shared>>
      %dma_wait3A_91 = arith.constant 0 : i32
      %dma_wait3A_92 = tpu.memref_slice %arg18[%add3A_7, %dma_wait3A_91] : memref<10000x128xf32, #tpu.memory_space<vmem_shared>> -> memref<64x128xf32, #tpu.memory_space<vmem_shared>>
      %dma_wait3A_93 = arith.constant 0 : i32
      %dma_wait3A_94 = arith.constant 0 : i32
      %dma_wait3A_95 = tpu.memref_slice %arg17[%dma_wait3A_93, %dma_wait3A_94] : memref<64x128xf32, #tpu.memory_space<vmem>> -> memref<64x128xf32, #tpu.memory_space<vmem>>
      tpu.wait_dma2 semaphore(%run_scoped3A : memref<!tpu.dma_semaphore, #tpu.memory_space<semaphore_mem>>) src(%dma_wait3A_95 : memref<64x128xf32, #tpu.memory_space<vmem>>) dst(%dma_wait3A_92 : memref<64x128xf32, #tpu.memory_space<vmem_shared>>)
      tpu.yield
    }) : () -> ()
    %add3A_8 = arith.constant 128 : i32
    %add3A_9 = arith.addi %mul3A_4, %add3A_8 : i32
    "tpu.region"() ({
      %run_scoped3A = tpu.sem_alloc : memref<!tpu.dma_semaphore, #tpu.memory_space<semaphore_mem>>
      %dma_start3A = arith.constant 0 : i32
      %dma_start3A_78 = arith.constant 0 : i32
      %dma_start3A_79 = tpu.memref_slice %arg17[%dma_start3A, %dma_start3A_78] : memref<64x128xf32, #tpu.memory_space<vmem>> -> memref<64x128xf32, #tpu.memory_space<vmem>>
      %dma_start3A_80 = arith.constant 0 : i32
      %dma_start3A_81 = tpu.memref_slice %arg18[%add3A_9, %dma_start3A_80] : memref<10000x128xf32, #tpu.memory_space<vmem_shared>> -> memref<64x128xf32, #tpu.memory_space<vmem_shared>>
      %dma_start3A_82 = arith.constant 0 : i32
      %dma_start3A_83 = tpu.memref_slice %arg18[%add3A_9, %dma_start3A_82] : memref<10000x128xf32, #tpu.memory_space<vmem_shared>> -> memref<64x128xf32, #tpu.memory_space<vmem_shared>>
      %dma_start3A_84 = arith.constant 0 : i32
      %dma_start3A_85 = arith.constant 0 : i32
      %dma_start3A_86 = tpu.memref_slice %arg17[%dma_start3A_84, %dma_start3A_85] : memref<64x128xf32, #tpu.memory_space<vmem>> -> memref<64x128xf32, #tpu.memory_space<vmem>>
      tpu.enqueue_dma source(%dma_start3A_86 : memref<64x128xf32, #tpu.memory_space<vmem>>) target(%dma_start3A_83 : memref<64x128xf32, #tpu.memory_space<vmem_shared>>) target_semaphore(%run_scoped3A : memref<!tpu.dma_semaphore, #tpu.memory_space<semaphore_mem>>)
      %dma_wait3A = arith.constant 0 : i32
      %dma_wait3A_87 = arith.constant 0 : i32
      %dma_wait3A_88 = tpu.memref_slice %arg17[%dma_wait3A, %dma_wait3A_87] : memref<64x128xf32, #tpu.memory_space<vmem>> -> memref<64x128xf32, #tpu.memory_space<vmem>>
      %dma_wait3A_89 = arith.constant 0 : i32
      %dma_wait3A_90 = tpu.memref_slice %arg18[%add3A_9, %dma_wait3A_89] : memref<10000x128xf32, #tpu.memory_space<vmem_shared>> -> memref<64x128xf32, #tpu.memory_space<vmem_shared>>
      %dma_wait3A_91 = arith.constant 0 : i32
      %dma_wait3A_92 = tpu.memref_slice %arg18[%add3A_9, %dma_wait3A_91] : memref<10000x128xf32, #tpu.memory_space<vmem_shared>> -> memref<64x128xf32, #tpu.memory_space<vmem_shared>>
      %dma_wait3A_93 = arith.constant 0 : i32
      %dma_wait3A_94 = arith.constant 0 : i32
      %dma_wait3A_95 = tpu.memref_slice %arg17[%dma_wait3A_93, %dma_wait3A_94] : memref<64x128xf32, #tpu.memory_space<vmem>> -> memref<64x128xf32, #tpu.memory_space<vmem>>
      tpu.wait_dma2 semaphore(%run_scoped3A : memref<!tpu.dma_semaphore, #tpu.memory_space<semaphore_mem>>) src(%dma_wait3A_95 : memref<64x128xf32, #tpu.memory_space<vmem>>) dst(%dma_wait3A_92 : memref<64x128xf32, #tpu.memory_space<vmem_shared>>)
      tpu.yield
    }) : () -> ()
    %add3A_10 = arith.constant 192 : i32
    %add3A_11 = arith.addi %mul3A_4, %add3A_10 : i32
    "tpu.region"() ({
      %run_scoped3A = tpu.sem_alloc : memref<!tpu.dma_semaphore, #tpu.memory_space<semaphore_mem>>
      %dma_start3A = arith.constant 0 : i32
      %dma_start3A_78 = arith.constant 0 : i32
      %dma_start3A_79 = tpu.memref_slice %arg17[%dma_start3A, %dma_start3A_78] : memref<64x128xf32, #tpu.memory_space<vmem>> -> memref<64x128xf32, #tpu.memory_space<vmem>>
      %dma_start3A_80 = arith.constant 0 : i32
      %dma_start3A_81 = tpu.memref_slice %arg18[%add3A_11, %dma_start3A_80] : memref<10000x128xf32, #tpu.memory_space<vmem_shared>> -> memref<64x128xf32, #tpu.memory_space<vmem_shared>>
      %dma_start3A_82 = arith.constant 0 : i32
      %dma_start3A_83 = tpu.memref_slice %arg18[%add3A_11, %dma_start3A_82] : memref<10000x128xf32, #tpu.memory_space<vmem_shared>> -> memref<64x128xf32, #tpu.memory_space<vmem_shared>>
      %dma_start3A_84 = arith.constant 0 : i32
      %dma_start3A_85 = arith.constant 0 : i32
      %dma_start3A_86 = tpu.memref_slice %arg17[%dma_start3A_84, %dma_start3A_85] : memref<64x128xf32, #tpu.memory_space<vmem>> -> memref<64x128xf32, #tpu.memory_space<vmem>>
      tpu.enqueue_dma source(%dma_start3A_86 : memref<64x128xf32, #tpu.memory_space<vmem>>) target(%dma_start3A_83 : memref<64x128xf32, #tpu.memory_space<vmem_shared>>) target_semaphore(%run_scoped3A : memref<!tpu.dma_semaphore, #tpu.memory_space<semaphore_mem>>)
      %dma_wait3A = arith.constant 0 : i32
      %dma_wait3A_87 = arith.constant 0 : i32
      %dma_wait3A_88 = tpu.memref_slice %arg17[%dma_wait3A, %dma_wait3A_87] : memref<64x128xf32, #tpu.memory_space<vmem>> -> memref<64x128xf32, #tpu.memory_space<vmem>>
      %dma_wait3A_89 = arith.constant 0 : i32
      %dma_wait3A_90 = tpu.memref_slice %arg18[%add3A_11, %dma_wait3A_89] : memref<10000x128xf32, #tpu.memory_space<vmem_shared>> -> memref<64x128xf32, #tpu.memory_space<vmem_shared>>
      %dma_wait3A_91 = arith.constant 0 : i32
      %dma_wait3A_92 = tpu.memref_slice %arg18[%add3A_11, %dma_wait3A_91] : memref<10000x128xf32, #tpu.memory_space<vmem_shared>> -> memref<64x128xf32, #tpu.memory_space<vmem_shared>>
      %dma_wait3A_93 = arith.constant 0 : i32
      %dma_wait3A_94 = arith.constant 0 : i32
      %dma_wait3A_95 = tpu.memref_slice %arg17[%dma_wait3A_93, %dma_wait3A_94] : memref<64x128xf32, #tpu.memory_space<vmem>> -> memref<64x128xf32, #tpu.memory_space<vmem>>
      tpu.wait_dma2 semaphore(%run_scoped3A : memref<!tpu.dma_semaphore, #tpu.memory_space<semaphore_mem>>) src(%dma_wait3A_95 : memref<64x128xf32, #tpu.memory_space<vmem>>) dst(%dma_wait3A_92 : memref<64x128xf32, #tpu.memory_space<vmem_shared>>)
      tpu.yield
    }) : () -> ()
    %add3A_12 = arith.constant 256 : i32
    %add3A_13 = arith.addi %mul3A_4, %add3A_12 : i32
    "tpu.region"() ({
      %run_scoped3A = tpu.sem_alloc : memref<!tpu.dma_semaphore, #tpu.memory_space<semaphore_mem>>
      %dma_start3A = arith.constant 0 : i32
      %dma_start3A_78 = arith.constant 0 : i32
      %dma_start3A_79 = tpu.memref_slice %arg17[%dma_start3A, %dma_start3A_78] : memref<64x128xf32, #tpu.memory_space<vmem>> -> memref<64x128xf32, #tpu.memory_space<vmem>>
      %dma_start3A_80 = arith.constant 0 : i32
      %dma_start3A_81 = tpu.memref_slice %arg18[%add3A_13, %dma_start3A_80] : memref<10000x128xf32, #tpu.memory_space<vmem_shared>> -> memref<64x128xf32, #tpu.memory_space<vmem_shared>>
      %dma_start3A_82 = arith.constant 0 : i32
      %dma_start3A_83 = tpu.memref_slice %arg18[%add3A_13, %dma_start3A_82] : memref<10000x128xf32, #tpu.memory_space<vmem_shared>> -> memref<64x128xf32, #tpu.memory_space<vmem_shared>>
      %dma_start3A_84 = arith.constant 0 : i32
      %dma_start3A_85 = arith.constant 0 : i32
      %dma_start3A_86 = tpu.memref_slice %arg17[%dma_start3A_84, %dma_start3A_85] : memref<64x128xf32, #tpu.memory_space<vmem>> -> memref<64x128xf32, #tpu.memory_space<vmem>>
      tpu.enqueue_dma source(%dma_start3A_86 : memref<64x128xf32, #tpu.memory_space<vmem>>) target(%dma_start3A_83 : memref<64x128xf32, #tpu.memory_space<vmem_shared>>) target_semaphore(%run_scoped3A : memref<!tpu.dma_semaphore, #tpu.memory_space<semaphore_mem>>)
      %dma_wait3A = arith.constant 0 : i32
      %dma_wait3A_87 = arith.constant 0 : i32
      %dma_wait3A_88 = tpu.memref_slice %arg17[%dma_wait3A, %dma_wait3A_87] : memref<64x128xf32, #tpu.memory_space<vmem>> -> memref<64x128xf32, #tpu.memory_space<vmem>>
      %dma_wait3A_89 = arith.constant 0 : i32
      %dma_wait3A_90 = tpu.memref_slice %arg18[%add3A_13, %dma_wait3A_89] : memref<10000x128xf32, #tpu.memory_space<vmem_shared>> -> memref<64x128xf32, #tpu.memory_space<vmem_shared>>
      %dma_wait3A_91 = arith.constant 0 : i32
      %dma_wait3A_92 = tpu.memref_slice %arg18[%add3A_13, %dma_wait3A_91] : memref<10000x128xf32, #tpu.memory_space<vmem_shared>> -> memref<64x128xf32, #tpu.memory_space<vmem_shared>>
      %dma_wait3A_93 = arith.constant 0 : i32
      %dma_wait3A_94 = arith.constant 0 : i32
      %dma_wait3A_95 = tpu.memref_slice %arg17[%dma_wait3A_93, %dma_wait3A_94] : memref<64x128xf32, #tpu.memory_space<vmem>> -> memref<64x128xf32, #tpu.memory_space<vmem>>
      tpu.wait_dma2 semaphore(%run_scoped3A : memref<!tpu.dma_semaphore, #tpu.memory_space<semaphore_mem>>) src(%dma_wait3A_95 : memref<64x128xf32, #tpu.memory_space<vmem>>) dst(%dma_wait3A_92 : memref<64x128xf32, #tpu.memory_space<vmem_shared>>)
      tpu.yield
    }) : () -> ()
    %add3A_14 = arith.constant 320 : i32
    %add3A_15 = arith.addi %mul3A_4, %add3A_14 : i32
    "tpu.region"() ({
      %run_scoped3A = tpu.sem_alloc : memref<!tpu.dma_semaphore, #tpu.memory_space<semaphore_mem>>
      %dma_start3A = arith.constant 0 : i32
      %dma_start3A_78 = arith.constant 0 : i32
      %dma_start3A_79 = tpu.memref_slice %arg17[%dma_start3A, %dma_start3A_78] : memref<64x128xf32, #tpu.memory_space<vmem>> -> memref<64x128xf32, #tpu.memory_space<vmem>>
      %dma_start3A_80 = arith.constant 0 : i32
      %dma_start3A_81 = tpu.memref_slice %arg18[%add3A_15, %dma_start3A_80] : memref<10000x128xf32, #tpu.memory_space<vmem_shared>> -> memref<64x128xf32, #tpu.memory_space<vmem_shared>>
      %dma_start3A_82 = arith.constant 0 : i32
      %dma_start3A_83 = tpu.memref_slice %arg18[%add3A_15, %dma_start3A_82] : memref<10000x128xf32, #tpu.memory_space<vmem_shared>> -> memref<64x128xf32, #tpu.memory_space<vmem_shared>>
      %dma_start3A_84 = arith.constant 0 : i32
      %dma_start3A_85 = arith.constant 0 : i32
      %dma_start3A_86 = tpu.memref_slice %arg17[%dma_start3A_84, %dma_start3A_85] : memref<64x128xf32, #tpu.memory_space<vmem>> -> memref<64x128xf32, #tpu.memory_space<vmem>>
      tpu.enqueue_dma source(%dma_start3A_86 : memref<64x128xf32, #tpu.memory_space<vmem>>) target(%dma_start3A_83 : memref<64x128xf32, #tpu.memory_space<vmem_shared>>) target_semaphore(%run_scoped3A : memref<!tpu.dma_semaphore, #tpu.memory_space<semaphore_mem>>)
      %dma_wait3A = arith.constant 0 : i32
      %dma_wait3A_87 = arith.constant 0 : i32
      %dma_wait3A_88 = tpu.memref_slice %arg17[%dma_wait3A, %dma_wait3A_87] : memref<64x128xf32, #tpu.memory_space<vmem>> -> memref<64x128xf32, #tpu.memory_space<vmem>>
      %dma_wait3A_89 = arith.constant 0 : i32
      %dma_wait3A_90 = tpu.memref_slice %arg18[%add3A_15, %dma_wait3A_89] : memref<10000x128xf32, #tpu.memory_space<vmem_shared>> -> memref<64x128xf32, #tpu.memory_space<vmem_shared>>
      %dma_wait3A_91 = arith.constant 0 : i32
      %dma_wait3A_92 = tpu.memref_slice %arg18[%add3A_15, %dma_wait3A_91] : memref<10000x128xf32, #tpu.memory_space<vmem_shared>> -> memref<64x128xf32, #tpu.memory_space<vmem_shared>>
      %dma_wait3A_93 = arith.constant 0 : i32
      %dma_wait3A_94 = arith.constant 0 : i32
      %dma_wait3A_95 = tpu.memref_slice %arg17[%dma_wait3A_93, %dma_wait3A_94] : memref<64x128xf32, #tpu.memory_space<vmem>> -> memref<64x128xf32, #tpu.memory_space<vmem>>
      tpu.wait_dma2 semaphore(%run_scoped3A : memref<!tpu.dma_semaphore, #tpu.memory_space<semaphore_mem>>) src(%dma_wait3A_95 : memref<64x128xf32, #tpu.memory_space<vmem>>) dst(%dma_wait3A_92 : memref<64x128xf32, #tpu.memory_space<vmem_shared>>)
      tpu.yield
    }) : () -> ()
    %add3A_16 = arith.constant 384 : i32
    %add3A_17 = arith.addi %mul3A_4, %add3A_16 : i32
    "tpu.region"() ({
      %run_scoped3A = tpu.sem_alloc : memref<!tpu.dma_semaphore, #tpu.memory_space<semaphore_mem>>
      %dma_start3A = arith.constant 0 : i32
      %dma_start3A_78 = arith.constant 0 : i32
      %dma_start3A_79 = tpu.memref_slice %arg17[%dma_start3A, %dma_start3A_78] : memref<64x128xf32, #tpu.memory_space<vmem>> -> memref<64x128xf32, #tpu.memory_space<vmem>>
      %dma_start3A_80 = arith.constant 0 : i32
      %dma_start3A_81 = tpu.memref_slice %arg18[%add3A_17, %dma_start3A_80] : memref<10000x128xf32, #tpu.memory_space<vmem_shared>> -> memref<64x128xf32, #tpu.memory_space<vmem_shared>>
      %dma_start3A_82 = arith.constant 0 : i32
      %dma_start3A_83 = tpu.memref_slice %arg18[%add3A_17, %dma_start3A_82] : memref<10000x128xf32, #tpu.memory_space<vmem_shared>> -> memref<64x128xf32, #tpu.memory_space<vmem_shared>>
      %dma_start3A_84 = arith.constant 0 : i32
      %dma_start3A_85 = arith.constant 0 : i32
      %dma_start3A_86 = tpu.memref_slice %arg17[%dma_start3A_84, %dma_start3A_85] : memref<64x128xf32, #tpu.memory_space<vmem>> -> memref<64x128xf32, #tpu.memory_space<vmem>>
      tpu.enqueue_dma source(%dma_start3A_86 : memref<64x128xf32, #tpu.memory_space<vmem>>) target(%dma_start3A_83 : memref<64x128xf32, #tpu.memory_space<vmem_shared>>) target_semaphore(%run_scoped3A : memref<!tpu.dma_semaphore, #tpu.memory_space<semaphore_mem>>)
      %dma_wait3A = arith.constant 0 : i32
      %dma_wait3A_87 = arith.constant 0 : i32
      %dma_wait3A_88 = tpu.memref_slice %arg17[%dma_wait3A, %dma_wait3A_87] : memref<64x128xf32, #tpu.memory_space<vmem>> -> memref<64x128xf32, #tpu.memory_space<vmem>>
      %dma_wait3A_89 = arith.constant 0 : i32
      %dma_wait3A_90 = tpu.memref_slice %arg18[%add3A_17, %dma_wait3A_89] : memref<10000x128xf32, #tpu.memory_space<vmem_shared>> -> memref<64x128xf32, #tpu.memory_space<vmem_shared>>
      %dma_wait3A_91 = arith.constant 0 : i32
      %dma_wait3A_92 = tpu.memref_slice %arg18[%add3A_17, %dma_wait3A_91] : memref<10000x128xf32, #tpu.memory_space<vmem_shared>> -> memref<64x128xf32, #tpu.memory_space<vmem_shared>>
      %dma_wait3A_93 = arith.constant 0 : i32
      %dma_wait3A_94 = arith.constant 0 : i32
      %dma_wait3A_95 = tpu.memref_slice %arg17[%dma_wait3A_93, %dma_wait3A_94] : memref<64x128xf32, #tpu.memory_space<vmem>> -> memref<64x128xf32, #tpu.memory_space<vmem>>
      tpu.wait_dma2 semaphore(%run_scoped3A : memref<!tpu.dma_semaphore, #tpu.memory_space<semaphore_mem>>) src(%dma_wait3A_95 : memref<64x128xf32, #tpu.memory_space<vmem>>) dst(%dma_wait3A_92 : memref<64x128xf32, #tpu.memory_space<vmem_shared>>)
      tpu.yield
    }) : () -> ()
    %add3A_18 = arith.constant 448 : i32
    %add3A_19 = arith.addi %mul3A_4, %add3A_18 : i32
    "tpu.region"() ({
      %run_scoped3A = tpu.sem_alloc : memref<!tpu.dma_semaphore, #tpu.memory_space<semaphore_mem>>
      %dma_start3A = arith.constant 0 : i32
      %dma_start3A_78 = arith.constant 0 : i32
      %dma_start3A_79 = tpu.memref_slice %arg17[%dma_start3A, %dma_start3A_78] : memref<64x128xf32, #tpu.memory_space<vmem>> -> memref<64x128xf32, #tpu.memory_space<vmem>>
      %dma_start3A_80 = arith.constant 0 : i32
      %dma_start3A_81 = tpu.memref_slice %arg18[%add3A_19, %dma_start3A_80] : memref<10000x128xf32, #tpu.memory_space<vmem_shared>> -> memref<64x128xf32, #tpu.memory_space<vmem_shared>>
      %dma_start3A_82 = arith.constant 0 : i32
      %dma_start3A_83 = tpu.memref_slice %arg18[%add3A_19, %dma_start3A_82] : memref<10000x128xf32, #tpu.memory_space<vmem_shared>> -> memref<64x128xf32, #tpu.memory_space<vmem_shared>>
      %dma_start3A_84 = arith.constant 0 : i32
      %dma_start3A_85 = arith.constant 0 : i32
      %dma_start3A_86 = tpu.memref_slice %arg17[%dma_start3A_84, %dma_start3A_85] : memref<64x128xf32, #tpu.memory_space<vmem>> -> memref<64x128xf32, #tpu.memory_space<vmem>>
      tpu.enqueue_dma source(%dma_start3A_86 : memref<64x128xf32, #tpu.memory_space<vmem>>) target(%dma_start3A_83 : memref<64x128xf32, #tpu.memory_space<vmem_shared>>) target_semaphore(%run_scoped3A : memref<!tpu.dma_semaphore, #tpu.memory_space<semaphore_mem>>)
      %dma_wait3A = arith.constant 0 : i32
      %dma_wait3A_87 = arith.constant 0 : i32
      %dma_wait3A_88 = tpu.memref_slice %arg17[%dma_wait3A, %dma_wait3A_87] : memref<64x128xf32, #tpu.memory_space<vmem>> -> memref<64x128xf32, #tpu.memory_space<vmem>>
      %dma_wait3A_89 = arith.constant 0 : i32
      %dma_wait3A_90 = tpu.memref_slice %arg18[%add3A_19, %dma_wait3A_89] : memref<10000x128xf32, #tpu.memory_space<vmem_shared>> -> memref<64x128xf32, #tpu.memory_space<vmem_shared>>
      %dma_wait3A_91 = arith.constant 0 : i32
      %dma_wait3A_92 = tpu.memref_slice %arg18[%add3A_19, %dma_wait3A_91] : memref<10000x128xf32, #tpu.memory_space<vmem_shared>> -> memref<64x128xf32, #tpu.memory_space<vmem_shared>>
      %dma_wait3A_93 = arith.constant 0 : i32
      %dma_wait3A_94 = arith.constant 0 : i32
      %dma_wait3A_95 = tpu.memref_slice %arg17[%dma_wait3A_93, %dma_wait3A_94] : memref<64x128xf32, #tpu.memory_space<vmem>> -> memref<64x128xf32, #tpu.memory_space<vmem>>
      tpu.wait_dma2 semaphore(%run_scoped3A : memref<!tpu.dma_semaphore, #tpu.memory_space<semaphore_mem>>) src(%dma_wait3A_95 : memref<64x128xf32, #tpu.memory_space<vmem>>) dst(%dma_wait3A_92 : memref<64x128xf32, #tpu.memory_space<vmem_shared>>)
      tpu.yield
    }) : () -> ()
    %add3A_20 = arith.constant 512 : i32
    %add3A_21 = arith.addi %mul3A_4, %add3A_20 : i32
    "tpu.region"() ({
      %run_scoped3A = tpu.sem_alloc : memref<!tpu.dma_semaphore, #tpu.memory_space<semaphore_mem>>
      %dma_start3A = arith.constant 0 : i32
      %dma_start3A_78 = arith.constant 0 : i32
      %dma_start3A_79 = tpu.memref_slice %arg17[%dma_start3A, %dma_start3A_78] : memref<64x128xf32, #tpu.memory_space<vmem>> -> memref<64x128xf32, #tpu.memory_space<vmem>>
      %dma_start3A_80 = arith.constant 0 : i32
      %dma_start3A_81 = tpu.memref_slice %arg18[%add3A_21, %dma_start3A_80] : memref<10000x128xf32, #tpu.memory_space<vmem_shared>> -> memref<64x128xf32, #tpu.memory_space<vmem_shared>>
      %dma_start3A_82 = arith.constant 0 : i32
      %dma_start3A_83 = tpu.memref_slice %arg18[%add3A_21, %dma_start3A_82] : memref<10000x128xf32, #tpu.memory_space<vmem_shared>> -> memref<64x128xf32, #tpu.memory_space<vmem_shared>>
      %dma_start3A_84 = arith.constant 0 : i32
      %dma_start3A_85 = arith.constant 0 : i32
      %dma_start3A_86 = tpu.memref_slice %arg17[%dma_start3A_84, %dma_start3A_85] : memref<64x128xf32, #tpu.memory_space<vmem>> -> memref<64x128xf32, #tpu.memory_space<vmem>>
      tpu.enqueue_dma source(%dma_start3A_86 : memref<64x128xf32, #tpu.memory_space<vmem>>) target(%dma_start3A_83 : memref<64x128xf32, #tpu.memory_space<vmem_shared>>) target_semaphore(%run_scoped3A : memref<!tpu.dma_semaphore, #tpu.memory_space<semaphore_mem>>)
      %dma_wait3A = arith.constant 0 : i32
      %dma_wait3A_87 = arith.constant 0 : i32
      %dma_wait3A_88 = tpu.memref_slice %arg17[%dma_wait3A, %dma_wait3A_87] : memref<64x128xf32, #tpu.memory_space<vmem>> -> memref<64x128xf32, #tpu.memory_space<vmem>>
      %dma_wait3A_89 = arith.constant 0 : i32
      %dma_wait3A_90 = tpu.memref_slice %arg18[%add3A_21, %dma_wait3A_89] : memref<10000x128xf32, #tpu.memory_space<vmem_shared>> -> memref<64x128xf32, #tpu.memory_space<vmem_shared>>
      %dma_wait3A_91 = arith.constant 0 : i32
      %dma_wait3A_92 = tpu.memref_slice %arg18[%add3A_21, %dma_wait3A_91] : memref<10000x128xf32, #tpu.memory_space<vmem_shared>> -> memref<64x128xf32, #tpu.memory_space<vmem_shared>>
      %dma_wait3A_93 = arith.constant 0 : i32
      %dma_wait3A_94 = arith.constant 0 : i32
      %dma_wait3A_95 = tpu.memref_slice %arg17[%dma_wait3A_93, %dma_wait3A_94] : memref<64x128xf32, #tpu.memory_space<vmem>> -> memref<64x128xf32, #tpu.memory_space<vmem>>
      tpu.wait_dma2 semaphore(%run_scoped3A : memref<!tpu.dma_semaphore, #tpu.memory_space<semaphore_mem>>) src(%dma_wait3A_95 : memref<64x128xf32, #tpu.memory_space<vmem>>) dst(%dma_wait3A_92 : memref<64x128xf32, #tpu.memory_space<vmem_shared>>)
      tpu.yield
    }) : () -> ()
    %add3A_22 = arith.constant 576 : i32
    %add3A_23 = arith.addi %mul3A_4, %add3A_22 : i32
    "tpu.region"() ({
      %run_scoped3A = tpu.sem_alloc : memref<!tpu.dma_semaphore, #tpu.memory_space<semaphore_mem>>
      %dma_start3A = arith.constant 0 : i32
      %dma_start3A_78 = arith.constant 0 : i32
      %dma_start3A_79 = tpu.memref_slice %arg17[%dma_start3A, %dma_start3A_78] : memref<64x128xf32, #tpu.memory_space<vmem>> -> memref<49x128xf32, #tpu.memory_space<vmem>>
      %dma_start3A_80 = arith.constant 0 : i32
      %dma_start3A_81 = tpu.memref_slice %arg18[%add3A_23, %dma_start3A_80] : memref<10000x128xf32, #tpu.memory_space<vmem_shared>> -> memref<49x128xf32, #tpu.memory_space<vmem_shared>>
      %dma_start3A_82 = arith.constant 0 : i32
      %dma_start3A_83 = tpu.memref_slice %arg18[%add3A_23, %dma_start3A_82] : memref<10000x128xf32, #tpu.memory_space<vmem_shared>> -> memref<49x128xf32, #tpu.memory_space<vmem_shared>>
      %dma_start3A_84 = arith.constant 0 : i32
      %dma_start3A_85 = arith.constant 0 : i32
      %dma_start3A_86 = tpu.memref_slice %arg17[%dma_start3A_84, %dma_start3A_85] : memref<64x128xf32, #tpu.memory_space<vmem>> -> memref<49x128xf32, #tpu.memory_space<vmem>>
      tpu.enqueue_dma source(%dma_start3A_86 : memref<49x128xf32, #tpu.memory_space<vmem>>) target(%dma_start3A_83 : memref<49x128xf32, #tpu.memory_space<vmem_shared>>) target_semaphore(%run_scoped3A : memref<!tpu.dma_semaphore, #tpu.memory_space<semaphore_mem>>)
      %dma_wait3A = arith.constant 0 : i32
      %dma_wait3A_87 = arith.constant 0 : i32
      %dma_wait3A_88 = tpu.memref_slice %arg17[%dma_wait3A, %dma_wait3A_87] : memref<64x128xf32, #tpu.memory_space<vmem>> -> memref<49x128xf32, #tpu.memory_space<vmem>>
      %dma_wait3A_89 = arith.constant 0 : i32
      %dma_wait3A_90 = tpu.memref_slice %arg18[%add3A_23, %dma_wait3A_89] : memref<10000x128xf32, #tpu.memory_space<vmem_shared>> -> memref<49x128xf32, #tpu.memory_space<vmem_shared>>
      %dma_wait3A_91 = arith.constant 0 : i32
      %dma_wait3A_92 = tpu.memref_slice %arg18[%add3A_23, %dma_wait3A_91] : memref<10000x128xf32, #tpu.memory_space<vmem_shared>> -> memref<49x128xf32, #tpu.memory_space<vmem_shared>>
      %dma_wait3A_93 = arith.constant 0 : i32
      %dma_wait3A_94 = arith.constant 0 : i32
      %dma_wait3A_95 = tpu.memref_slice %arg17[%dma_wait3A_93, %dma_wait3A_94] : memref<64x128xf32, #tpu.memory_space<vmem>> -> memref<49x128xf32, #tpu.memory_space<vmem>>
      tpu.wait_dma2 semaphore(%run_scoped3A : memref<!tpu.dma_semaphore, #tpu.memory_space<semaphore_mem>>) src(%dma_wait3A_95 : memref<49x128xf32, #tpu.memory_space<vmem>>) dst(%dma_wait3A_92 : memref<49x128xf32, #tpu.memory_space<vmem_shared>>)
      tpu.yield
    }) : () -> ()
    %barrier3A = arith.constant 0 : index
    tpu.barrier barrier_id(%barrier3A)
    %mul3A_24 = arith.constant 10000 : i32
    %mul3A_25 = arith.muli %arg0, %mul3A_24 : i32
    %broadcast_in_dim3A = vector.broadcast %mul3A_25 : i32 to vector<16xi32>
    %get3A = arith.constant 0 : i32
    %get3A_26 = arith.index_cast %get3A : i32 to index
    %get3A_27 = arith.constant 0 : index
    %get3A_28 = tpu.vector_load %arg13[%get3A_26, %get3A_27] {strides = array<i32>} : memref<2x64xf32, #tpu.memory_space<vmem>>, vector<1x16xf32>,
    %get3A_29 = vector.shape_cast %get3A_28 : vector<1x16xf32> to vector<16xf32>
    %get3A_30 = arith.constant 0 : i32
    %get3A_31 = arith.index_cast %get3A_30 : i32 to index
    %get3A_32 = arith.constant 16 : index
    %get3A_33 = tpu.vector_load %arg13[%get3A_31, %get3A_32] {strides = array<i32>} : memref<2x64xf32, #tpu.memory_space<vmem>>, vector<1x16xf32>,
    %get3A_34 = vector.shape_cast %get3A_33 : vector<1x16xf32> to vector<16xf32>
    %get3A_35 = arith.constant 0 : i32
    %get3A_36 = arith.index_cast %get3A_35 : i32 to index
    %get3A_37 = arith.constant 32 : index
    %get3A_38 = tpu.vector_load %arg13[%get3A_36, %get3A_37] {strides = array<i32>} : memref<2x64xf32, #tpu.memory_space<vmem>>, vector<1x16xf32>,
    %get3A_39 = vector.shape_cast %get3A_38 : vector<1x16xf32> to vector<16xf32>
    %get3A_40 = arith.constant 0 : i32
    %get3A_41 = arith.index_cast %get3A_40 : i32 to index
    %get3A_42 = arith.constant 48 : index
    %get3A_43 = tpu.vector_load %arg13[%get3A_41, %get3A_42] {strides = array<i32>} : memref<2x64xf32, #tpu.memory_space<vmem>>, vector<1x16xf32>,
    %get3A_44 = vector.shape_cast %get3A_43 : vector<1x16xf32> to vector<16xf32>
    %get3A_45 = arith.constant 1 : i32
    %get3A_46 = arith.index_cast %get3A_45 : i32 to index
    %get3A_47 = arith.constant 0 : index
    %get3A_48 = tpu.vector_load %arg13[%get3A_46, %get3A_47] {strides = array<i32>} : memref<2x64xf32, #tpu.memory_space<vmem>>, vector<1x16xf32>,
    %get3A_49 = vector.shape_cast %get3A_48 : vector<1x16xf32> to vector<16xf32>
    %get3A_50 = arith.constant 1 : i32
    %get3A_51 = arith.index_cast %get3A_50 : i32 to index
    %get3A_52 = arith.constant 16 : index
    %get3A_53 = tpu.vector_load %arg13[%get3A_51, %get3A_52] {strides = array<i32>} : memref<2x64xf32, #tpu.memory_space<vmem>>, vector<1x16xf32>,
    %get3A_54 = vector.shape_cast %get3A_53 : vector<1x16xf32> to vector<16xf32>
    %get3A_55 = arith.constant 1 : i32
    %get3A_56 = arith.index_cast %get3A_55 : i32 to index
    %get3A_57 = arith.constant 32 : index
    %get3A_58 = tpu.vector_load %arg13[%get3A_56, %get3A_57] {strides = array<i32>} : memref<2x64xf32, #tpu.memory_space<vmem>>, vector<1x16xf32>,
    %get3A_59 = vector.shape_cast %get3A_58 : vector<1x16xf32> to vector<16xf32>
    %get3A_60 = arith.constant 1 : i32
    %get3A_61 = arith.index_cast %get3A_60 : i32 to index
    %get3A_62 = arith.constant 48 : index
    %get3A_63 = tpu.vector_load %arg13[%get3A_61, %get3A_62] {strides = array<i32>} : memref<2x64xf32, #tpu.memory_space<vmem>>, vector<1x16xf32>,
    %get3A_64 = vector.shape_cast %get3A_63 : vector<1x16xf32> to vector<16xf32>
    %scan3A_65 = arith.constant 0 : i32
    %scan3A_66 = arith.constant 313 : i32
    %scan3A_67 = arith.addi %scan3A_65, %scan3A_66 : i32
    %scan3A_68 = arith.constant 1 : i32
    scf.for %scan3A_78 = %scan3A_65 to %scan3A_67 step %scan3A_68  : i32 {
      %mul3A_79 = arith.constant 16 : i32
      %mul3A_80 = arith.muli %scan3A_78, %mul3A_79 : i32
      %add3A_81 = arith.addi %mul3A_80, %arg1 : i32
      %lt3A = arith.constant 5000 : i32
      %lt3A_82 = arith.cmpi slt, %add3A_81, %lt3A : i32
      %convert_element_type3A_83 = arith.extui %lt3A_82 : i1 to i32
      %cond3A_84 = arith.constant 0 : i32
      %cond3A_85 = arith.cmpi ne, %convert_element_type3A_83, %cond3A_84 : i32
      scf.if %cond3A_85 {
        %mul3A_86 = arith.constant 64 : i32
        %mul3A_87 = arith.muli %add3A_81, %mul3A_86 : i32
        %run_scoped3A = arith.constant 0 : i32
        "tpu.region"() ({
          %run_scoped3A_129 = tpu.sem_alloc : memref<!tpu.dma_semaphore, #tpu.memory_space<semaphore_mem>>
          %dma_start3A_130 = tpu.memref_slice %arg5[%run_scoped3A, %mul3A_87] : memref<2x320000xi32, #tpu.memory_space<hbm>> -> memref<1x64xi32, #tpu.memory_space<hbm>>
          %dma_start3A_131 = tpu.memref_squeeze %dma_start3A_130 : memref<1x64xi32, #tpu.memory_space<hbm>> -> memref<64xi32, #tpu.memory_space<hbm>>
          %dma_start3A_132 = tpu.memref_slice %arg5[%run_scoped3A, %mul3A_87] : memref<2x320000xi32, #tpu.memory_space<hbm>> -> memref<1x64xi32, #tpu.memory_space<hbm>>
          %dma_start3A_133 = tpu.memref_squeeze %dma_start3A_132 : memref<1x64xi32, #tpu.memory_space<hbm>> -> memref<64xi32, #tpu.memory_space<hbm>>
          tpu.enqueue_dma source(%dma_start3A_133 : memref<64xi32, #tpu.memory_space<hbm>>) target(%arg10 : memref<64xi32, #tpu.memory_space<vmem>>) target_semaphore(%run_scoped3A_129 : memref<!tpu.dma_semaphore, #tpu.memory_space<semaphore_mem>>)
          %dma_wait3A_134 = tpu.memref_slice %arg5[%run_scoped3A, %mul3A_87] : memref<2x320000xi32, #tpu.memory_space<hbm>> -> memref<1x64xi32, #tpu.memory_space<hbm>>
          %dma_wait3A_135 = tpu.memref_squeeze %dma_wait3A_134 : memref<1x64xi32, #tpu.memory_space<hbm>> -> memref<64xi32, #tpu.memory_space<hbm>>
          %dma_wait3A_136 = tpu.memref_slice %arg5[%run_scoped3A, %mul3A_87] : memref<2x320000xi32, #tpu.memory_space<hbm>> -> memref<1x64xi32, #tpu.memory_space<hbm>>
          %dma_wait3A_137 = tpu.memref_squeeze %dma_wait3A_136 : memref<1x64xi32, #tpu.memory_space<hbm>> -> memref<64xi32, #tpu.memory_space<hbm>>
          tpu.wait_dma2 semaphore(%run_scoped3A_129 : memref<!tpu.dma_semaphore, #tpu.memory_space<semaphore_mem>>) src(%dma_wait3A_137 : memref<64xi32, #tpu.memory_space<hbm>>) dst(%arg10 : memref<64xi32, #tpu.memory_space<vmem>>)
          tpu.yield
        }) : () -> ()
        %run_scoped3A_88 = arith.constant 1 : i32
        "tpu.region"() ({
          %run_scoped3A_129 = tpu.sem_alloc : memref<!tpu.dma_semaphore, #tpu.memory_space<semaphore_mem>>
          %dma_start3A_130 = tpu.memref_slice %arg5[%run_scoped3A_88, %mul3A_87] : memref<2x320000xi32, #tpu.memory_space<hbm>> -> memref<1x64xi32, #tpu.memory_space<hbm>>
          %dma_start3A_131 = tpu.memref_squeeze %dma_start3A_130 : memref<1x64xi32, #tpu.memory_space<hbm>> -> memref<64xi32, #tpu.memory_space<hbm>>
          %dma_start3A_132 = tpu.memref_slice %arg5[%run_scoped3A_88, %mul3A_87] : memref<2x320000xi32, #tpu.memory_space<hbm>> -> memref<1x64xi32, #tpu.memory_space<hbm>>
          %dma_start3A_133 = tpu.memref_squeeze %dma_start3A_132 : memref<1x64xi32, #tpu.memory_space<hbm>> -> memref<64xi32, #tpu.memory_space<hbm>>
          tpu.enqueue_dma source(%dma_start3A_133 : memref<64xi32, #tpu.memory_space<hbm>>) target(%arg11 : memref<64xi32, #tpu.memory_space<vmem>>) target_semaphore(%run_scoped3A_129 : memref<!tpu.dma_semaphore, #tpu.memory_space<semaphore_mem>>)
          %dma_wait3A_134 = tpu.memref_slice %arg5[%run_scoped3A_88, %mul3A_87] : memref<2x320000xi32, #tpu.memory_space<hbm>> -> memref<1x64xi32, #tpu.memory_space<hbm>>
          %dma_wait3A_135 = tpu.memref_squeeze %dma_wait3A_134 : memref<1x64xi32, #tpu.memory_space<hbm>> -> memref<64xi32, #tpu.memory_space<hbm>>
          %dma_wait3A_136 = tpu.memref_slice %arg5[%run_scoped3A_88, %mul3A_87] : memref<2x320000xi32, #tpu.memory_space<hbm>> -> memref<1x64xi32, #tpu.memory_space<hbm>>
          %dma_wait3A_137 = tpu.memref_squeeze %dma_wait3A_136 : memref<1x64xi32, #tpu.memory_space<hbm>> -> memref<64xi32, #tpu.memory_space<hbm>>
          tpu.wait_dma2 semaphore(%run_scoped3A_129 : memref<!tpu.dma_semaphore, #tpu.memory_space<semaphore_mem>>) src(%dma_wait3A_137 : memref<64xi32, #tpu.memory_space<hbm>>) dst(%arg11 : memref<64xi32, #tpu.memory_space<vmem>>)
          tpu.yield
        }) : () -> ()
        %scan3A_89 = arith.constant 0 : i32
        %scan3A_90 = arith.constant 4 : i32
        %scan3A_91 = arith.addi %scan3A_89, %scan3A_90 : i32
        %scan3A_92 = arith.constant 1 : i32
        scf.for %scan3A_129 = %scan3A_89 to %scan3A_91 step %scan3A_92  : i32 {
          %mul3A_130 = arith.constant 16 : i32
          %mul3A_131 = arith.muli %scan3A_129, %mul3A_130 : i32
          %get3A_132 = arith.index_cast %mul3A_131 : i32 to index
          %get3A_133 = tpu.vector_load %arg10[%get3A_132] {strides = array<i32>} : memref<64xi32, #tpu.memory_space<vmem>>, vector<16xi32>,
          %get3A_134 = vector.shape_cast %get3A_133 : vector<16xi32> to vector<16xi32>
          %add3A_135 = arith.addi %get3A_134, %broadcast_in_dim3A : vector<16xi32>
          %swap3A = arith.index_cast %mul3A_131 : i32 to index
          %swap3A_136 = tpu.vector_load %arg10[%swap3A] {strides = array<i32>} : memref<64xi32, #tpu.memory_space<vmem>>, vector<16xi32>,
          %swap3A_137 = vector.shape_cast %swap3A_136 : vector<16xi32> to vector<16xi32>
          %swap3A_138 = vector.shape_cast %add3A_135 : vector<16xi32> to vector<16xi32>
          tpu.vector_store %arg10[%swap3A], %swap3A_138 {strides = array<i32>} : memref<64xi32, #tpu.memory_space<vmem>>, vector<16xi32>,
          %get3A_139 = arith.index_cast %mul3A_131 : i32 to index
          %get3A_140 = tpu.vector_load %arg11[%get3A_139] {strides = array<i32>} : memref<64xi32, #tpu.memory_space<vmem>>, vector<16xi32>,
          %get3A_141 = vector.shape_cast %get3A_140 : vector<16xi32> to vector<16xi32>
          %add3A_142 = arith.addi %get3A_141, %broadcast_in_dim3A : vector<16xi32>
          %swap3A_143 = arith.index_cast %mul3A_131 : i32 to index
          %swap3A_144 = tpu.vector_load %arg12[%swap3A_143] {strides = array<i32>} : memref<64xi32, #tpu.memory_space<vmem>>, vector<16xi32>,
          %swap3A_145 = vector.shape_cast %swap3A_144 : vector<16xi32> to vector<16xi32>
          %swap3A_146 = vector.shape_cast %add3A_142 : vector<16xi32> to vector<16xi32>
          tpu.vector_store %arg12[%swap3A_143], %swap3A_146 {strides = array<i32>} : memref<64xi32, #tpu.memory_space<vmem>>, vector<16xi32>,
        }
        %scan3A_93 = arith.constant 4 : i32
        %dma_start3A = arith.constant 0 : i32
        %dma_start3A_94 = arith.constant 0 : i32
        %dma_start3A_95 = tpu.memref_slice %arg2[%dma_start3A, %dma_start3A_94] : memref<20000x128xf32, #tpu.memory_space<hbm>> -> memref<20000x128xf32, #tpu.memory_space<hbm>>
        tpu.enqueue_indirect_dma source(%dma_start3A_95 : memref<20000x128xf32, #tpu.memory_space<hbm>>) target(%arg14 : memref<64x128xf32, #tpu.memory_space<vmem>>) offsets(%arg10 : memref<64xi32, #tpu.memory_space<vmem>>) semaphore(%arg19 : memref<!tpu.dma_semaphore, #tpu.memory_space<semaphore_mem>>)
        %dma_start3A_96 = arith.constant 0 : i32
        %dma_start3A_97 = arith.constant 0 : i32
        %dma_start3A_98 = tpu.memref_slice %arg3[%dma_start3A_96, %dma_start3A_97] : memref<20000x64xf32, #tpu.memory_space<hbm>> -> memref<20000x64xf32, #tpu.memory_space<hbm>>
        tpu.enqueue_indirect_dma source(%dma_start3A_98 : memref<20000x64xf32, #tpu.memory_space<hbm>>) target(%arg15 : memref<64x64xf32, #tpu.memory_space<vmem>>) offsets(%arg12 : memref<64xi32, #tpu.memory_space<vmem>>) semaphore(%arg20 : memref<!tpu.dma_semaphore, #tpu.memory_space<semaphore_mem>>)
        %eq3A_99 = arith.constant 0 : i32
        %eq3A_100 = arith.cmpi eq, %arg0, %eq3A_99 : i32
        %convert_element_type3A_101 = arith.extui %eq3A_100 : i1 to i32
        %cond3A_102 = arith.constant 0 : i32
        %cond3A_103 = arith.cmpi ne, %convert_element_type3A_101, %cond3A_102 : i32
        scf.if %cond3A_103 {
          "tpu.region"() ({
            %run_scoped3A_129 = tpu.sem_alloc : memref<!tpu.dma_semaphore, #tpu.memory_space<semaphore_mem>>
            %dma_start3A_130 = arith.constant 0 : i32
            %dma_start3A_131 = tpu.memref_slice %arg4[%mul3A_87, %dma_start3A_130] : memref<320000x128xf32, #tpu.memory_space<hbm>> -> memref<64x64xf32, #tpu.memory_space<hbm>>
            %dma_start3A_132 = arith.constant 0 : i32
            %dma_start3A_133 = tpu.memref_slice %arg4[%mul3A_87, %dma_start3A_132] : memref<320000x128xf32, #tpu.memory_space<hbm>> -> memref<64x64xf32, #tpu.memory_space<hbm>>
            tpu.enqueue_dma source(%dma_start3A_133 : memref<64x64xf32, #tpu.memory_space<hbm>>) target(%arg16 : memref<64x64xf32, #tpu.memory_space<vmem>>) target_semaphore(%run_scoped3A_129 : memref<!tpu.dma_semaphore, #tpu.memory_space<semaphore_mem>>)
            %dma_wait3A_134 = arith.constant 0 : i32
            %dma_wait3A_135 = tpu.memref_slice %arg4[%mul3A_87, %dma_wait3A_134] : memref<320000x128xf32, #tpu.memory_space<hbm>> -> memref<64x64xf32, #tpu.memory_space<hbm>>
            %dma_wait3A_136 = arith.constant 0 : i32
            %dma_wait3A_137 = tpu.memref_slice %arg4[%mul3A_87, %dma_wait3A_136] : memref<320000x128xf32, #tpu.memory_space<hbm>> -> memref<64x64xf32, #tpu.memory_space<hbm>>
            tpu.wait_dma2 semaphore(%run_scoped3A_129 : memref<!tpu.dma_semaphore, #tpu.memory_space<semaphore_mem>>) src(%dma_wait3A_137 : memref<64x64xf32, #tpu.memory_space<hbm>>) dst(%arg16 : memref<64x64xf32, #tpu.memory_space<vmem>>)
            tpu.yield
          }) : () -> ()
        } else {
        }
        %eq3A_104 = arith.constant 1 : i32
        %eq3A_105 = arith.cmpi eq, %arg0, %eq3A_104 : i32
        %convert_element_type3A_106 = arith.extui %eq3A_105 : i1 to i32
        %cond3A_107 = arith.constant 0 : i32
        %cond3A_108 = arith.cmpi ne, %convert_element_type3A_106, %cond3A_107 : i32
        scf.if %cond3A_108 {
          "tpu.region"() ({
            %run_scoped3A_129 = tpu.sem_alloc : memref<!tpu.dma_semaphore, #tpu.memory_space<semaphore_mem>>
            %dma_start3A_130 = arith.constant 64 : i32
            %dma_start3A_131 = tpu.memref_slice %arg4[%mul3A_87, %dma_start3A_130] : memref<320000x128xf32, #tpu.memory_space<hbm>> -> memref<64x64xf32, #tpu.memory_space<hbm>>
            %dma_start3A_132 = arith.constant 64 : i32
            %dma_start3A_133 = tpu.memref_slice %arg4[%mul3A_87, %dma_start3A_132] : memref<320000x128xf32, #tpu.memory_space<hbm>> -> memref<64x64xf32, #tpu.memory_space<hbm>>
            tpu.enqueue_dma source(%dma_start3A_133 : memref<64x64xf32, #tpu.memory_space<hbm>>) target(%arg16 : memref<64x64xf32, #tpu.memory_space<vmem>>) target_semaphore(%run_scoped3A_129 : memref<!tpu.dma_semaphore, #tpu.memory_space<semaphore_mem>>)
            %dma_wait3A_134 = arith.constant 64 : i32
            %dma_wait3A_135 = tpu.memref_slice %arg4[%mul3A_87, %dma_wait3A_134] : memref<320000x128xf32, #tpu.memory_space<hbm>> -> memref<64x64xf32, #tpu.memory_space<hbm>>
            %dma_wait3A_136 = arith.constant 64 : i32
            %dma_wait3A_137 = tpu.memref_slice %arg4[%mul3A_87, %dma_wait3A_136] : memref<320000x128xf32, #tpu.memory_space<hbm>> -> memref<64x64xf32, #tpu.memory_space<hbm>>
            tpu.wait_dma2 semaphore(%run_scoped3A_129 : memref<!tpu.dma_semaphore, #tpu.memory_space<semaphore_mem>>) src(%dma_wait3A_137 : memref<64x64xf32, #tpu.memory_space<hbm>>) dst(%arg16 : memref<64x64xf32, #tpu.memory_space<vmem>>)
            tpu.yield
          }) : () -> ()
        } else {
        }
        %dma_wait3A = arith.constant 0 : i32
        %dma_wait3A_109 = arith.constant 0 : i32
        %dma_wait3A_110 = tpu.memref_slice %arg2[%dma_wait3A, %dma_wait3A_109] : memref<20000x128xf32, #tpu.memory_space<hbm>> -> memref<20000x128xf32, #tpu.memory_space<hbm>>
        tpu.wait_indirect_dma semaphore(%arg19 : memref<!tpu.dma_semaphore, #tpu.memory_space<semaphore_mem>>) src(%dma_wait3A_110 : memref<20000x128xf32, #tpu.memory_space<hbm>>) dst(%arg14 : memref<64x128xf32, #tpu.memory_space<vmem>>)
        %dma_wait3A_111 = arith.constant 0 : i32
        %dma_wait3A_112 = arith.constant 0 : i32
        %dma_wait3A_113 = tpu.memref_slice %arg3[%dma_wait3A_111, %dma_wait3A_112] : memref<20000x64xf32, #tpu.memory_space<hbm>> -> memref<20000x64xf32, #tpu.memory_space<hbm>>
        tpu.wait_indirect_dma semaphore(%arg20 : memref<!tpu.dma_semaphore, #tpu.memory_space<semaphore_mem>>) src(%dma_wait3A_113 : memref<20000x64xf32, #tpu.memory_space<hbm>>) dst(%arg15 : memref<64x64xf32, #tpu.memory_space<vmem>>)
        %scan3A_114 = arith.constant 0 : i32
        %scan3A_115 = arith.constant 64 : i32
        %scan3A_116 = arith.addi %scan3A_114, %scan3A_115 : i32
        %scan3A_117 = arith.constant 1 : i32
        scf.for %scan3A_129 = %scan3A_114 to %scan3A_116 step %scan3A_117  : i32 {
          %get3A_130 = arith.index_cast %scan3A_129 : i32 to index
          %get3A_131 = arith.constant 0 : index
          %get3A_132 = tpu.vector_load %arg16[%get3A_130, %get3A_131] {strides = array<i32>} : memref<64x64xf32, #tpu.memory_space<vmem>>, vector<1x16xf32>,
          %get3A_133 = vector.shape_cast %get3A_132 : vector<1x16xf32> to vector<16xf32>
          %get3A_134 = arith.index_cast %scan3A_129 : i32 to index
          %get3A_135 = arith.constant 0 : index
          %get3A_136 = tpu.vector_load %arg14[%get3A_134, %get3A_135] {strides = array<i32>} : memref<64x128xf32, #tpu.memory_space<vmem>>, vector<1x16xf32>,
          %get3A_137 = vector.shape_cast %get3A_136 : vector<1x16xf32> to vector<16xf32>
          %add3A_138 = arith.addf %get3A_133, %get3A_137 : vector<16xf32>
          %get3A_139 = arith.index_cast %scan3A_129 : i32 to index
          %get3A_140 = arith.constant 0 : index
          %get3A_141 = tpu.vector_load %arg15[%get3A_139, %get3A_140] {strides = array<i32>} : memref<64x64xf32, #tpu.memory_space<vmem>>, vector<1x16xf32>,
          %get3A_142 = vector.shape_cast %get3A_141 : vector<1x16xf32> to vector<16xf32>
          %add3A_143 = arith.addf %add3A_138, %get3A_142 : vector<16xf32>
          %neg3A = arith.constant 0.000000e+00 : f32
          %neg3A_144 = vector.broadcast %neg3A : f32 to vector<16xf32>
          %neg3A_145 = arith.subf %neg3A_144, %add3A_143 : vector<16xf32>
          %exp3A = math.exp %neg3A_145 : vector<16xf32>
          %add3A_146 = arith.constant 1.000000e+00 : f32
          %add3A_147 = vector.broadcast %add3A_146 : f32 to vector<16xf32>
          %add3A_148 = arith.addf %add3A_147, %exp3A : vector<16xf32>
          %div3A = arith.constant 1.000000e+00 : f32
          %div3A_149 = vector.broadcast %div3A : f32 to vector<16xf32>
          %div3A_150 = arith.divf %div3A_149, %add3A_148 : vector<16xf32>
          %mul3A_151 = arith.mulf %add3A_143, %get3A_29 : vector<16xf32>
          %add3A_152 = arith.addf %mul3A_151, %get3A_49 : vector<16xf32>
          %max3A = arith.constant 0.000000e+00 : f32
          %max3A_153 = vector.broadcast %max3A : f32 to vector<16xf32>
          %max3A_154 = arith.maximumf %add3A_152, %max3A_153 : vector<16xf32>
          %swap3A = arith.index_cast %scan3A_129 : i32 to index
          %swap3A_155 = arith.constant 0 : index
          %swap3A_156 = tpu.vector_load %arg16[%swap3A, %swap3A_155] {strides = array<i32>} : memref<64x64xf32, #tpu.memory_space<vmem>>, vector<1x16xf32>,
          %swap3A_157 = vector.shape_cast %swap3A_156 : vector<1x16xf32> to vector<16xf32>
          %swap3A_158 = vector.shape_cast %max3A_154 : vector<16xf32> to vector<1x16xf32>
          tpu.vector_store %arg16[%swap3A, %swap3A_155], %swap3A_158 {strides = array<i32>} : memref<64x64xf32, #tpu.memory_space<vmem>>, vector<1x16xf32>,
          %get3A_159 = arith.index_cast %scan3A_129 : i32 to index
          %get3A_160 = arith.constant 64 : index
          %get3A_161 = tpu.vector_load %arg14[%get3A_159, %get3A_160] {strides = array<i32>} : memref<64x128xf32, #tpu.memory_space<vmem>>, vector<1x16xf32>,
          %get3A_162 = vector.shape_cast %get3A_161 : vector<1x16xf32> to vector<16xf32>
          %mul3A_163 = arith.mulf %div3A_150, %get3A_162 : vector<16xf32>
          %swap3A_164 = arith.index_cast %scan3A_129 : i32 to index
          %swap3A_165 = arith.constant 0 : index
          %swap3A_166 = tpu.vector_load %arg17[%swap3A_164, %swap3A_165] {strides = array<i32>} : memref<64x128xf32, #tpu.memory_space<vmem>>, vector<1x16xf32>,
          %swap3A_167 = vector.shape_cast %swap3A_166 : vector<1x16xf32> to vector<16xf32>
          %swap3A_168 = vector.shape_cast %mul3A_163 : vector<16xf32> to vector<1x16xf32>
          tpu.vector_store %arg17[%swap3A_164, %swap3A_165], %swap3A_168 {strides = array<i32>} : memref<64x128xf32, #tpu.memory_space<vmem>>, vector<1x16xf32>,
          %swap3A_169 = arith.index_cast %scan3A_129 : i32 to index
          %swap3A_170 = arith.constant 64 : index
          %swap3A_171 = tpu.vector_load %arg17[%swap3A_169, %swap3A_170] {strides = array<i32>} : memref<64x128xf32, #tpu.memory_space<vmem>>, vector<1x16xf32>,
          %swap3A_172 = vector.shape_cast %swap3A_171 : vector<1x16xf32> to vector<16xf32>
          %swap3A_173 = vector.shape_cast %div3A_150 : vector<16xf32> to vector<1x16xf32>
          tpu.vector_store %arg17[%swap3A_169, %swap3A_170], %swap3A_173 {strides = array<i32>} : memref<64x128xf32, #tpu.memory_space<vmem>>, vector<1x16xf32>,
          %get3A_174 = arith.index_cast %scan3A_129 : i32 to index
          %get3A_175 = arith.constant 16 : index
          %get3A_176 = tpu.vector_load %arg16[%get3A_174, %get3A_175] {strides = array<i32>} : memref<64x64xf32, #tpu.memory_space<vmem>>, vector<1x16xf32>,
          %get3A_177 = vector.shape_cast %get3A_176 : vector<1x16xf32> to vector<16xf32>
          %get3A_178 = arith.index_cast %scan3A_129 : i32 to index
          %get3A_179 = arith.constant 16 : index
          %get3A_180 = tpu.vector_load %arg14[%get3A_178, %get3A_179] {strides = array<i32>} : memref<64x128xf32, #tpu.memory_space<vmem>>, vector<1x16xf32>,
          %get3A_181 = vector.shape_cast %get3A_180 : vector<1x16xf32> to vector<16xf32>
          %add3A_182 = arith.addf %get3A_177, %get3A_181 : vector<16xf32>
          %get3A_183 = arith.index_cast %scan3A_129 : i32 to index
          %get3A_184 = arith.constant 16 : index
          %get3A_185 = tpu.vector_load %arg15[%get3A_183, %get3A_184] {strides = array<i32>} : memref<64x64xf32, #tpu.memory_space<vmem>>, vector<1x16xf32>,
          %get3A_186 = vector.shape_cast %get3A_185 : vector<1x16xf32> to vector<16xf32>
          %add3A_187 = arith.addf %add3A_182, %get3A_186 : vector<16xf32>
          %neg3A_188 = arith.constant 0.000000e+00 : f32
          %neg3A_189 = vector.broadcast %neg3A_188 : f32 to vector<16xf32>
          %neg3A_190 = arith.subf %neg3A_189, %add3A_187 : vector<16xf32>
          %exp3A_191 = math.exp %neg3A_190 : vector<16xf32>
          %add3A_192 = arith.constant 1.000000e+00 : f32
          %add3A_193 = vector.broadcast %add3A_192 : f32 to vector<16xf32>
          %add3A_194 = arith.addf %add3A_193, %exp3A_191 : vector<16xf32>
          %div3A_195 = arith.constant 1.000000e+00 : f32
          %div3A_196 = vector.broadcast %div3A_195 : f32 to vector<16xf32>
          %div3A_197 = arith.divf %div3A_196, %add3A_194 : vector<16xf32>
          %mul3A_198 = arith.mulf %add3A_187, %get3A_34 : vector<16xf32>
          %add3A_199 = arith.addf %mul3A_198, %get3A_54 : vector<16xf32>
          %max3A_200 = arith.constant 0.000000e+00 : f32
          %max3A_201 = vector.broadcast %max3A_200 : f32 to vector<16xf32>
          %max3A_202 = arith.maximumf %add3A_199, %max3A_201 : vector<16xf32>
          %swap3A_203 = arith.index_cast %scan3A_129 : i32 to index
          %swap3A_204 = arith.constant 16 : index
          %swap3A_205 = tpu.vector_load %arg16[%swap3A_203, %swap3A_204] {strides = array<i32>} : memref<64x64xf32, #tpu.memory_space<vmem>>, vector<1x16xf32>,
          %swap3A_206 = vector.shape_cast %swap3A_205 : vector<1x16xf32> to vector<16xf32>
          %swap3A_207 = vector.shape_cast %max3A_202 : vector<16xf32> to vector<1x16xf32>
          tpu.vector_store %arg16[%swap3A_203, %swap3A_204], %swap3A_207 {strides = array<i32>} : memref<64x64xf32, #tpu.memory_space<vmem>>, vector<1x16xf32>,
          %get3A_208 = arith.index_cast %scan3A_129 : i32 to index
          %get3A_209 = arith.constant 80 : index
          %get3A_210 = tpu.vector_load %arg14[%get3A_208, %get3A_209] {strides = array<i32>} : memref<64x128xf32, #tpu.memory_space<vmem>>, vector<1x16xf32>,
          %get3A_211 = vector.shape_cast %get3A_210 : vector<1x16xf32> to vector<16xf32>
          %mul3A_212 = arith.mulf %div3A_197, %get3A_211 : vector<16xf32>
          %swap3A_213 = arith.index_cast %scan3A_129 : i32 to index
          %swap3A_214 = arith.constant 16 : index
          %swap3A_215 = tpu.vector_load %arg17[%swap3A_213, %swap3A_214] {strides = array<i32>} : memref<64x128xf32, #tpu.memory_space<vmem>>, vector<1x16xf32>,
          %swap3A_216 = vector.shape_cast %swap3A_215 : vector<1x16xf32> to vector<16xf32>
          %swap3A_217 = vector.shape_cast %mul3A_212 : vector<16xf32> to vector<1x16xf32>
          tpu.vector_store %arg17[%swap3A_213, %swap3A_214], %swap3A_217 {strides = array<i32>} : memref<64x128xf32, #tpu.memory_space<vmem>>, vector<1x16xf32>,
          %swap3A_218 = arith.index_cast %scan3A_129 : i32 to index
          %swap3A_219 = arith.constant 80 : index
          %swap3A_220 = tpu.vector_load %arg17[%swap3A_218, %swap3A_219] {strides = array<i32>} : memref<64x128xf32, #tpu.memory_space<vmem>>, vector<1x16xf32>,
          %swap3A_221 = vector.shape_cast %swap3A_220 : vector<1x16xf32> to vector<16xf32>
          %swap3A_222 = vector.shape_cast %div3A_197 : vector<16xf32> to vector<1x16xf32>
          tpu.vector_store %arg17[%swap3A_218, %swap3A_219], %swap3A_222 {strides = array<i32>} : memref<64x128xf32, #tpu.memory_space<vmem>>, vector<1x16xf32>,
          %get3A_223 = arith.index_cast %scan3A_129 : i32 to index
          %get3A_224 = arith.constant 32 : index
          %get3A_225 = tpu.vector_load %arg16[%get3A_223, %get3A_224] {strides = array<i32>} : memref<64x64xf32, #tpu.memory_space<vmem>>, vector<1x16xf32>,
          %get3A_226 = vector.shape_cast %get3A_225 : vector<1x16xf32> to vector<16xf32>
          %get3A_227 = arith.index_cast %scan3A_129 : i32 to index
          %get3A_228 = arith.constant 32 : index
          %get3A_229 = tpu.vector_load %arg14[%get3A_227, %get3A_228] {strides = array<i32>} : memref<64x128xf32, #tpu.memory_space<vmem>>, vector<1x16xf32>,
          %get3A_230 = vector.shape_cast %get3A_229 : vector<1x16xf32> to vector<16xf32>
          %add3A_231 = arith.addf %get3A_226, %get3A_230 : vector<16xf32>
          %get3A_232 = arith.index_cast %scan3A_129 : i32 to index
          %get3A_233 = arith.constant 32 : index
          %get3A_234 = tpu.vector_load %arg15[%get3A_232, %get3A_233] {strides = array<i32>} : memref<64x64xf32, #tpu.memory_space<vmem>>, vector<1x16xf32>,
          %get3A_235 = vector.shape_cast %get3A_234 : vector<1x16xf32> to vector<16xf32>
          %add3A_236 = arith.addf %add3A_231, %get3A_235 : vector<16xf32>
          %neg3A_237 = arith.constant 0.000000e+00 : f32
          %neg3A_238 = vector.broadcast %neg3A_237 : f32 to vector<16xf32>
          %neg3A_239 = arith.subf %neg3A_238, %add3A_236 : vector<16xf32>
          %exp3A_240 = math.exp %neg3A_239 : vector<16xf32>
          %add3A_241 = arith.constant 1.000000e+00 : f32
          %add3A_242 = vector.broadcast %add3A_241 : f32 to vector<16xf32>
          %add3A_243 = arith.addf %add3A_242, %exp3A_240 : vector<16xf32>
          %div3A_244 = arith.constant 1.000000e+00 : f32
          %div3A_245 = vector.broadcast %div3A_244 : f32 to vector<16xf32>
          %div3A_246 = arith.divf %div3A_245, %add3A_243 : vector<16xf32>
          %mul3A_247 = arith.mulf %add3A_236, %get3A_39 : vector<16xf32>
          %add3A_248 = arith.addf %mul3A_247, %get3A_59 : vector<16xf32>
          %max3A_249 = arith.constant 0.000000e+00 : f32
          %max3A_250 = vector.broadcast %max3A_249 : f32 to vector<16xf32>
          %max3A_251 = arith.maximumf %add3A_248, %max3A_250 : vector<16xf32>
          %swap3A_252 = arith.index_cast %scan3A_129 : i32 to index
          %swap3A_253 = arith.constant 32 : index
          %swap3A_254 = tpu.vector_load %arg16[%swap3A_252, %swap3A_253] {strides = array<i32>} : memref<64x64xf32, #tpu.memory_space<vmem>>, vector<1x16xf32>,
          %swap3A_255 = vector.shape_cast %swap3A_254 : vector<1x16xf32> to vector<16xf32>
          %swap3A_256 = vector.shape_cast %max3A_251 : vector<16xf32> to vector<1x16xf32>
          tpu.vector_store %arg16[%swap3A_252, %swap3A_253], %swap3A_256 {strides = array<i32>} : memref<64x64xf32, #tpu.memory_space<vmem>>, vector<1x16xf32>,
          %get3A_257 = arith.index_cast %scan3A_129 : i32 to index
          %get3A_258 = arith.constant 96 : index
          %get3A_259 = tpu.vector_load %arg14[%get3A_257, %get3A_258] {strides = array<i32>} : memref<64x128xf32, #tpu.memory_space<vmem>>, vector<1x16xf32>,
          %get3A_260 = vector.shape_cast %get3A_259 : vector<1x16xf32> to vector<16xf32>
          %mul3A_261 = arith.mulf %div3A_246, %get3A_260 : vector<16xf32>
          %swap3A_262 = arith.index_cast %scan3A_129 : i32 to index
          %swap3A_263 = arith.constant 32 : index
          %swap3A_264 = tpu.vector_load %arg17[%swap3A_262, %swap3A_263] {strides = array<i32>} : memref<64x128xf32, #tpu.memory_space<vmem>>, vector<1x16xf32>,
          %swap3A_265 = vector.shape_cast %swap3A_264 : vector<1x16xf32> to vector<16xf32>
          %swap3A_266 = vector.shape_cast %mul3A_261 : vector<16xf32> to vector<1x16xf32>
          tpu.vector_store %arg17[%swap3A_262, %swap3A_263], %swap3A_266 {strides = array<i32>} : memref<64x128xf32, #tpu.memory_space<vmem>>, vector<1x16xf32>,
          %swap3A_267 = arith.index_cast %scan3A_129 : i32 to index
          %swap3A_268 = arith.constant 96 : index
          %swap3A_269 = tpu.vector_load %arg17[%swap3A_267, %swap3A_268] {strides = array<i32>} : memref<64x128xf32, #tpu.memory_space<vmem>>, vector<1x16xf32>,
          %swap3A_270 = vector.shape_cast %swap3A_269 : vector<1x16xf32> to vector<16xf32>
          %swap3A_271 = vector.shape_cast %div3A_246 : vector<16xf32> to vector<1x16xf32>
          tpu.vector_store %arg17[%swap3A_267, %swap3A_268], %swap3A_271 {strides = array<i32>} : memref<64x128xf32, #tpu.memory_space<vmem>>, vector<1x16xf32>,
          %get3A_272 = arith.index_cast %scan3A_129 : i32 to index
          %get3A_273 = arith.constant 48 : index
          %get3A_274 = tpu.vector_load %arg16[%get3A_272, %get3A_273] {strides = array<i32>} : memref<64x64xf32, #tpu.memory_space<vmem>>, vector<1x16xf32>,
          %get3A_275 = vector.shape_cast %get3A_274 : vector<1x16xf32> to vector<16xf32>
          %get3A_276 = arith.index_cast %scan3A_129 : i32 to index
          %get3A_277 = arith.constant 48 : index
          %get3A_278 = tpu.vector_load %arg14[%get3A_276, %get3A_277] {strides = array<i32>} : memref<64x128xf32, #tpu.memory_space<vmem>>, vector<1x16xf32>,
          %get3A_279 = vector.shape_cast %get3A_278 : vector<1x16xf32> to vector<16xf32>
          %add3A_280 = arith.addf %get3A_275, %get3A_279 : vector<16xf32>
          %get3A_281 = arith.index_cast %scan3A_129 : i32 to index
          %get3A_282 = arith.constant 48 : index
          %get3A_283 = tpu.vector_load %arg15[%get3A_281, %get3A_282] {strides = array<i32>} : memref<64x64xf32, #tpu.memory_space<vmem>>, vector<1x16xf32>,
          %get3A_284 = vector.shape_cast %get3A_283 : vector<1x16xf32> to vector<16xf32>
          %add3A_285 = arith.addf %add3A_280, %get3A_284 : vector<16xf32>
          %neg3A_286 = arith.constant 0.000000e+00 : f32
          %neg3A_287 = vector.broadcast %neg3A_286 : f32 to vector<16xf32>
          %neg3A_288 = arith.subf %neg3A_287, %add3A_285 : vector<16xf32>
          %exp3A_289 = math.exp %neg3A_288 : vector<16xf32>
          %add3A_290 = arith.constant 1.000000e+00 : f32
          %add3A_291 = vector.broadcast %add3A_290 : f32 to vector<16xf32>
          %add3A_292 = arith.addf %add3A_291, %exp3A_289 : vector<16xf32>
          %div3A_293 = arith.constant 1.000000e+00 : f32
          %div3A_294 = vector.broadcast %div3A_293 : f32 to vector<16xf32>
          %div3A_295 = arith.divf %div3A_294, %add3A_292 : vector<16xf32>
          %mul3A_296 = arith.mulf %add3A_285, %get3A_44 : vector<16xf32>
          %add3A_297 = arith.addf %mul3A_296, %get3A_64 : vector<16xf32>
          %max3A_298 = arith.constant 0.000000e+00 : f32
          %max3A_299 = vector.broadcast %max3A_298 : f32 to vector<16xf32>
          %max3A_300 = arith.maximumf %add3A_297, %max3A_299 : vector<16xf32>
          %swap3A_301 = arith.index_cast %scan3A_129 : i32 to index
          %swap3A_302 = arith.constant 48 : index
          %swap3A_303 = tpu.vector_load %arg16[%swap3A_301, %swap3A_302] {strides = array<i32>} : memref<64x64xf32, #tpu.memory_space<vmem>>, vector<1x16xf32>,
          %swap3A_304 = vector.shape_cast %swap3A_303 : vector<1x16xf32> to vector<16xf32>
          %swap3A_305 = vector.shape_cast %max3A_300 : vector<16xf32> to vector<1x16xf32>
          tpu.vector_store %arg16[%swap3A_301, %swap3A_302], %swap3A_305 {strides = array<i32>} : memref<64x64xf32, #tpu.memory_space<vmem>>, vector<1x16xf32>,
          %get3A_306 = arith.index_cast %scan3A_129 : i32 to index
          %get3A_307 = arith.constant 112 : index
          %get3A_308 = tpu.vector_load %arg14[%get3A_306, %get3A_307] {strides = array<i32>} : memref<64x128xf32, #tpu.memory_space<vmem>>, vector<1x16xf32>,
          %get3A_309 = vector.shape_cast %get3A_308 : vector<1x16xf32> to vector<16xf32>
          %mul3A_310 = arith.mulf %div3A_295, %get3A_309 : vector<16xf32>
          %swap3A_311 = arith.index_cast %scan3A_129 : i32 to index
          %swap3A_312 = arith.constant 48 : index
          %swap3A_313 = tpu.vector_load %arg17[%swap3A_311, %swap3A_312] {strides = array<i32>} : memref<64x128xf32, #tpu.memory_space<vmem>>, vector<1x16xf32>,
          %swap3A_314 = vector.shape_cast %swap3A_313 : vector<1x16xf32> to vector<16xf32>
          %swap3A_315 = vector.shape_cast %mul3A_310 : vector<16xf32> to vector<1x16xf32>
          tpu.vector_store %arg17[%swap3A_311, %swap3A_312], %swap3A_315 {strides = array<i32>} : memref<64x128xf32, #tpu.memory_space<vmem>>, vector<1x16xf32>,
          %swap3A_316 = arith.index_cast %scan3A_129 : i32 to index
          %swap3A_317 = arith.constant 112 : index
          %swap3A_318 = tpu.vector_load %arg17[%swap3A_316, %swap3A_317] {strides = array<i32>} : memref<64x128xf32, #tpu.memory_space<vmem>>, vector<1x16xf32>,
          %swap3A_319 = vector.shape_cast %swap3A_318 : vector<1x16xf32> to vector<16xf32>
          %swap3A_320 = vector.shape_cast %div3A_295 : vector<16xf32> to vector<1x16xf32>
          tpu.vector_store %arg17[%swap3A_316, %swap3A_317], %swap3A_320 {strides = array<i32>} : memref<64x128xf32, #tpu.memory_space<vmem>>, vector<1x16xf32>,
        }
        %scan3A_118 = arith.constant 64 : i32
        "tpu.region"() ({
          %run_scoped3A_129 = tpu.sem_alloc : memref<!tpu.dma_semaphore, #tpu.memory_space<semaphore_mem>>
          %dma_start3A_130 = arith.constant 0 : i32
          %dma_start3A_131 = arith.constant 0 : i32
          %dma_start3A_132 = tpu.memref_slice %arg18[%dma_start3A_130, %dma_start3A_131] : memref<10000x128xf32, #tpu.memory_space<vmem_shared>> -> memref<10000x128xf32, #tpu.memory_space<vmem_shared>>
          tpu.enqueue_indirect_dma source(%arg17 : memref<64x128xf32, #tpu.memory_space<vmem>>) target(%dma_start3A_132 : memref<10000x128xf32, #tpu.memory_space<vmem_shared>>) offsets(%arg11 : memref<64xi32, #tpu.memory_space<vmem>>) semaphore(%run_scoped3A_129 : memref<!tpu.dma_semaphore, #tpu.memory_space<semaphore_mem>>) {add = true}
          %dma_wait3A_133 = arith.constant 0 : i32
          %dma_wait3A_134 = arith.constant 0 : i32
          %dma_wait3A_135 = tpu.memref_slice %arg18[%dma_wait3A_133, %dma_wait3A_134] : memref<10000x128xf32, #tpu.memory_space<vmem_shared>> -> memref<10000x128xf32, #tpu.memory_space<vmem_shared>>
          tpu.wait_indirect_dma semaphore(%run_scoped3A_129 : memref<!tpu.dma_semaphore, #tpu.memory_space<semaphore_mem>>) src(%arg17 : memref<64x128xf32, #tpu.memory_space<vmem>>) dst(%dma_wait3A_135 : memref<10000x128xf32, #tpu.memory_space<vmem_shared>>)
          tpu.yield
        }) : () -> ()
        %eq3A_119 = arith.constant 0 : i32
        %eq3A_120 = arith.cmpi eq, %arg0, %eq3A_119 : i32
        %convert_element_type3A_121 = arith.extui %eq3A_120 : i1 to i32
        %cond3A_122 = arith.constant 0 : i32
        %cond3A_123 = arith.cmpi ne, %convert_element_type3A_121, %cond3A_122 : i32
        scf.if %cond3A_123 {
          "tpu.region"() ({
            %run_scoped3A_129 = tpu.sem_alloc : memref<!tpu.dma_semaphore, #tpu.memory_space<semaphore_mem>>
            %dma_start3A_130 = arith.constant 0 : i32
            %dma_start3A_131 = tpu.memref_slice %arg7[%mul3A_87, %dma_start3A_130] : memref<320000x128xf32, #tpu.memory_space<hbm>> -> memref<64x64xf32, #tpu.memory_space<hbm>>
            %dma_start3A_132 = arith.constant 0 : i32
            %dma_start3A_133 = tpu.memref_slice %arg7[%mul3A_87, %dma_start3A_132] : memref<320000x128xf32, #tpu.memory_space<hbm>> -> memref<64x64xf32, #tpu.memory_space<hbm>>
            tpu.enqueue_dma source(%arg16 : memref<64x64xf32, #tpu.memory_space<vmem>>) target(%dma_start3A_133 : memref<64x64xf32, #tpu.memory_space<hbm>>) target_semaphore(%run_scoped3A_129 : memref<!tpu.dma_semaphore, #tpu.memory_space<semaphore_mem>>)
            %dma_wait3A_134 = arith.constant 0 : i32
            %dma_wait3A_135 = tpu.memref_slice %arg7[%mul3A_87, %dma_wait3A_134] : memref<320000x128xf32, #tpu.memory_space<hbm>> -> memref<64x64xf32, #tpu.memory_space<hbm>>
            %dma_wait3A_136 = arith.constant 0 : i32
            %dma_wait3A_137 = tpu.memref_slice %arg7[%mul3A_87, %dma_wait3A_136] : memref<320000x128xf32, #tpu.memory_space<hbm>> -> memref<64x64xf32, #tpu.memory_space<hbm>>
            tpu.wait_dma2 semaphore(%run_scoped3A_129 : memref<!tpu.dma_semaphore, #tpu.memory_space<semaphore_mem>>) src(%arg16 : memref<64x64xf32, #tpu.memory_space<vmem>>) dst(%dma_wait3A_137 : memref<64x64xf32, #tpu.memory_space<hbm>>)
            tpu.yield
          }) : () -> ()
        } else {
        }
        %eq3A_124 = arith.constant 1 : i32
        %eq3A_125 = arith.cmpi eq, %arg0, %eq3A_124 : i32
        %convert_element_type3A_126 = arith.extui %eq3A_125 : i1 to i32
        %cond3A_127 = arith.constant 0 : i32
        %cond3A_128 = arith.cmpi ne, %convert_element_type3A_126, %cond3A_127 : i32
        scf.if %cond3A_128 {
          "tpu.region"() ({
            %run_scoped3A_129 = tpu.sem_alloc : memref<!tpu.dma_semaphore, #tpu.memory_space<semaphore_mem>>
            %dma_start3A_130 = arith.constant 64 : i32
            %dma_start3A_131 = tpu.memref_slice %arg7[%mul3A_87, %dma_start3A_130] : memref<320000x128xf32, #tpu.memory_space<hbm>> -> memref<64x64xf32, #tpu.memory_space<hbm>>
            %dma_start3A_132 = arith.constant 64 : i32
            %dma_start3A_133 = tpu.memref_slice %arg7[%mul3A_87, %dma_start3A_132] : memref<320000x128xf32, #tpu.memory_space<hbm>> -> memref<64x64xf32, #tpu.memory_space<hbm>>
            tpu.enqueue_dma source(%arg16 : memref<64x64xf32, #tpu.memory_space<vmem>>) target(%dma_start3A_133 : memref<64x64xf32, #tpu.memory_space<hbm>>) target_semaphore(%run_scoped3A_129 : memref<!tpu.dma_semaphore, #tpu.memory_space<semaphore_mem>>)
            %dma_wait3A_134 = arith.constant 64 : i32
            %dma_wait3A_135 = tpu.memref_slice %arg7[%mul3A_87, %dma_wait3A_134] : memref<320000x128xf32, #tpu.memory_space<hbm>> -> memref<64x64xf32, #tpu.memory_space<hbm>>
            %dma_wait3A_136 = arith.constant 64 : i32
            %dma_wait3A_137 = tpu.memref_slice %arg7[%mul3A_87, %dma_wait3A_136] : memref<320000x128xf32, #tpu.memory_space<hbm>> -> memref<64x64xf32, #tpu.memory_space<hbm>>
            tpu.wait_dma2 semaphore(%run_scoped3A_129 : memref<!tpu.dma_semaphore, #tpu.memory_space<semaphore_mem>>) src(%arg16 : memref<64x64xf32, #tpu.memory_space<vmem>>) dst(%dma_wait3A_137 : memref<64x64xf32, #tpu.memory_space<hbm>>)
            tpu.yield
          }) : () -> ()
        } else {
        }
      } else {
      }
    }
    %scan3A_69 = arith.constant 313 : i32
    %barrier3A_70 = arith.constant 0 : index
    tpu.barrier barrier_id(%barrier3A_70)
    %eq3A = arith.constant 0 : i32
    %eq3A_71 = arith.cmpi eq, %arg0, %eq3A : i32
    %convert_element_type3A = arith.extui %eq3A_71 : i1 to i32
    %cond3A = arith.constant 0 : i32
    %cond3A_72 = arith.cmpi ne, %convert_element_type3A, %cond3A : i32
    scf.if %cond3A_72 {
      "tpu.region"() ({
        %run_scoped3A = tpu.sem_alloc : memref<!tpu.dma_semaphore, #tpu.memory_space<semaphore_mem>>
        %dma_start3A = arith.constant 0 : i32
        %dma_start3A_78 = tpu.memref_slice %arg8[%mul3A_4, %dma_start3A] : memref<10000x128xf32, #tpu.memory_space<hbm>> -> memref<625x64xf32, #tpu.memory_space<hbm>>
        %dma_start3A_79 = arith.constant 0 : i32
        %dma_start3A_80 = tpu.memref_slice %arg18[%mul3A_4, %dma_start3A_79] : memref<10000x128xf32, #tpu.memory_space<vmem_shared>> -> memref<625x64xf32, #tpu.memory_space<vmem_shared>>
        tpu.enqueue_dma source(%dma_start3A_80 : memref<625x64xf32, #tpu.memory_space<vmem_shared>>) target(%dma_start3A_78 : memref<625x64xf32, #tpu.memory_space<hbm>>) target_semaphore(%run_scoped3A : memref<!tpu.dma_semaphore, #tpu.memory_space<semaphore_mem>>)
        %dma_wait3A = arith.constant 0 : i32
        %dma_wait3A_81 = tpu.memref_slice %arg8[%mul3A_4, %dma_wait3A] : memref<10000x128xf32, #tpu.memory_space<hbm>> -> memref<625x64xf32, #tpu.memory_space<hbm>>
        %dma_wait3A_82 = arith.constant 0 : i32
        %dma_wait3A_83 = tpu.memref_slice %arg18[%mul3A_4, %dma_wait3A_82] : memref<10000x128xf32, #tpu.memory_space<vmem_shared>> -> memref<625x64xf32, #tpu.memory_space<vmem_shared>>
        tpu.wait_dma2 semaphore(%run_scoped3A : memref<!tpu.dma_semaphore, #tpu.memory_space<semaphore_mem>>) src(%dma_wait3A_83 : memref<625x64xf32, #tpu.memory_space<vmem_shared>>) dst(%dma_wait3A_81 : memref<625x64xf32, #tpu.memory_space<hbm>>)
        tpu.yield
      }) : () -> ()
      "tpu.region"() ({
        %run_scoped3A = tpu.sem_alloc : memref<!tpu.dma_semaphore, #tpu.memory_space<semaphore_mem>>
        %dma_start3A = arith.constant 0 : i32
        %dma_start3A_78 = tpu.memref_slice %arg9[%mul3A_4, %dma_start3A] : memref<10000x128xf32, #tpu.memory_space<hbm>> -> memref<625x64xf32, #tpu.memory_space<hbm>>
        %dma_start3A_79 = arith.constant 64 : i32
        %dma_start3A_80 = tpu.memref_slice %arg18[%mul3A_4, %dma_start3A_79] : memref<10000x128xf32, #tpu.memory_space<vmem_shared>> -> memref<625x64xf32, #tpu.memory_space<vmem_shared>>
        tpu.enqueue_dma source(%dma_start3A_80 : memref<625x64xf32, #tpu.memory_space<vmem_shared>>) target(%dma_start3A_78 : memref<625x64xf32, #tpu.memory_space<hbm>>) target_semaphore(%run_scoped3A : memref<!tpu.dma_semaphore, #tpu.memory_space<semaphore_mem>>)
        %dma_wait3A = arith.constant 0 : i32
        %dma_wait3A_81 = tpu.memref_slice %arg9[%mul3A_4, %dma_wait3A] : memref<10000x128xf32, #tpu.memory_space<hbm>> -> memref<625x64xf32, #tpu.memory_space<hbm>>
        %dma_wait3A_82 = arith.constant 64 : i32
        %dma_wait3A_83 = tpu.memref_slice %arg18[%mul3A_4, %dma_wait3A_82] : memref<10000x128xf32, #tpu.memory_space<vmem_shared>> -> memref<625x64xf32, #tpu.memory_space<vmem_shared>>
        tpu.wait_dma2 semaphore(%run_scoped3A : memref<!tpu.dma_semaphore, #tpu.memory_space<semaphore_mem>>) src(%dma_wait3A_83 : memref<625x64xf32, #tpu.memory_space<vmem_shared>>) dst(%dma_wait3A_81 : memref<625x64xf32, #tpu.memory_space<hbm>>)
        tpu.yield
      }) : () -> ()
    } else {
    }
    %eq3A_73 = arith.constant 1 : i32
    %eq3A_74 = arith.cmpi eq, %arg0, %eq3A_73 : i32
    %convert_element_type3A_75 = arith.extui %eq3A_74 : i1 to i32
    %cond3A_76 = arith.constant 0 : i32
    %cond3A_77 = arith.cmpi ne, %convert_element_type3A_75, %cond3A_76 : i32
    scf.if %cond3A_77 {
      "tpu.region"() ({
        %run_scoped3A = tpu.sem_alloc : memref<!tpu.dma_semaphore, #tpu.memory_space<semaphore_mem>>
        %dma_start3A = arith.constant 64 : i32
        %dma_start3A_78 = tpu.memref_slice %arg8[%mul3A_4, %dma_start3A] : memref<10000x128xf32, #tpu.memory_space<hbm>> -> memref<625x64xf32, #tpu.memory_space<hbm>>
        %dma_start3A_79 = arith.constant 0 : i32
        %dma_start3A_80 = tpu.memref_slice %arg18[%mul3A_4, %dma_start3A_79] : memref<10000x128xf32, #tpu.memory_space<vmem_shared>> -> memref<625x64xf32, #tpu.memory_space<vmem_shared>>
        tpu.enqueue_dma source(%dma_start3A_80 : memref<625x64xf32, #tpu.memory_space<vmem_shared>>) target(%dma_start3A_78 : memref<625x64xf32, #tpu.memory_space<hbm>>) target_semaphore(%run_scoped3A : memref<!tpu.dma_semaphore, #tpu.memory_space<semaphore_mem>>)
        %dma_wait3A = arith.constant 64 : i32
        %dma_wait3A_81 = tpu.memref_slice %arg8[%mul3A_4, %dma_wait3A] : memref<10000x128xf32, #tpu.memory_space<hbm>> -> memref<625x64xf32, #tpu.memory_space<hbm>>
        %dma_wait3A_82 = arith.constant 0 : i32
        %dma_wait3A_83 = tpu.memref_slice %arg18[%mul3A_4, %dma_wait3A_82] : memref<10000x128xf32, #tpu.memory_space<vmem_shared>> -> memref<625x64xf32, #tpu.memory_space<vmem_shared>>
        tpu.wait_dma2 semaphore(%run_scoped3A : memref<!tpu.dma_semaphore, #tpu.memory_space<semaphore_mem>>) src(%dma_wait3A_83 : memref<625x64xf32, #tpu.memory_space<vmem_shared>>) dst(%dma_wait3A_81 : memref<625x64xf32, #tpu.memory_space<hbm>>)
        tpu.yield
      }) : () -> ()
      "tpu.region"() ({
        %run_scoped3A = tpu.sem_alloc : memref<!tpu.dma_semaphore, #tpu.memory_space<semaphore_mem>>
        %dma_start3A = arith.constant 64 : i32
        %dma_start3A_78 = tpu.memref_slice %arg9[%mul3A_4, %dma_start3A] : memref<10000x128xf32, #tpu.memory_space<hbm>> -> memref<625x64xf32, #tpu.memory_space<hbm>>
        %dma_start3A_79 = arith.constant 64 : i32
        %dma_start3A_80 = tpu.memref_slice %arg18[%mul3A_4, %dma_start3A_79] : memref<10000x128xf32, #tpu.memory_space<vmem_shared>> -> memref<625x64xf32, #tpu.memory_space<vmem_shared>>
        tpu.enqueue_dma source(%dma_start3A_80 : memref<625x64xf32, #tpu.memory_space<vmem_shared>>) target(%dma_start3A_78 : memref<625x64xf32, #tpu.memory_space<hbm>>) target_semaphore(%run_scoped3A : memref<!tpu.dma_semaphore, #tpu.memory_space<semaphore_mem>>)
        %dma_wait3A = arith.constant 64 : i32
        %dma_wait3A_81 = tpu.memref_slice %arg9[%mul3A_4, %dma_wait3A] : memref<10000x128xf32, #tpu.memory_space<hbm>> -> memref<625x64xf32, #tpu.memory_space<hbm>>
        %dma_wait3A_82 = arith.constant 64 : i32
        %dma_wait3A_83 = tpu.memref_slice %arg18[%mul3A_4, %dma_wait3A_82] : memref<10000x128xf32, #tpu.memory_space<vmem_shared>> -> memref<625x64xf32, #tpu.memory_space<vmem_shared>>
        tpu.wait_dma2 semaphore(%run_scoped3A : memref<!tpu.dma_semaphore, #tpu.memory_space<semaphore_mem>>) src(%dma_wait3A_83 : memref<625x64xf32, #tpu.memory_space<vmem_shared>>) dst(%dma_wait3A_81 : memref<625x64xf32, #tpu.memory_space<hbm>>)
        tpu.yield
      }) : () -> ()
    } else {
    }
    return
  }
}

module attributes {stable_mosaic.version = 14 : i64} {
  func.func @_proj_body(%arg0: i32, %arg1: memref<2000x128xf32, #tpu.memory_space<vmem>>, %arg2: memref<128x512xf32, #tpu.memory_space<vmem>>, %arg3: memref<8x512xf32, #tpu.memory_space<vmem>>, %arg4: memref<2000x512xf32, #tpu.memory_space<vmem>>) attributes {dimension_semantics = [#tpu.dimension_semantics<arbitrary>], iteration_bounds = array<i64: 5>, scalar_prefetch = 0 : i64, scratch_operands = 0 : i64, tpu.core_type = #tpu.core_type<tc>, window_params = [{transform_indices = @transform_0, window_bounds = array<i64: 2000, 128>}, {pipeline_mode = #tpu.pipeline_mode<synchronous>, transform_indices = @transform_1, window_bounds = array<i64: 128, 512>}, {pipeline_mode = #tpu.pipeline_mode<synchronous>, transform_indices = @transform_2, window_bounds = array<i64: 8, 512>}, {transform_indices = @transform_3, window_bounds = array<i64: 2000, 512>}]} {
    %get3A = arith.constant 0 : index
    %get3A_0 = arith.constant 0 : index
    %get3A_1 = vector.load %arg1[%get3A, %get3A_0] : memref<2000x128xf32, #tpu.memory_space<vmem>>, vector<2000x128xf32>
    %get3A_2 = arith.constant 0 : index
    %get3A_3 = arith.constant 0 : index
    %get3A_4 = vector.load %arg2[%get3A_2, %get3A_3] : memref<128x512xf32, #tpu.memory_space<vmem>>, vector<128x512xf32>
    %dot_general3A = arith.constant dense<0.000000e+00> : vector<2000x512xf32>
    %dot_general3A_5 = tpu.matmul %get3A_1, %get3A_4, %dot_general3A {dimension_numbers = #tpu.dot_dimension_numbers<[1], [0], [0], [1], [0, 0, 1, 1], [], []>, transpose_lhs_hint = false} : vector<2000x128xf32>, vector<128x512xf32>, vector<2000x512xf32> -> vector<2000x512xf32>
    %get3A_6 = arith.constant 0 : index
    %get3A_7 = arith.constant 0 : index
    %get3A_8 = vector.load %arg3[%get3A_6, %get3A_7] : memref<8x512xf32, #tpu.memory_space<vmem>>, vector<1x512xf32>
    %add3A = vector.broadcast %get3A_8 : vector<1x512xf32> to vector<2000x512xf32>
    %add3A_9 = arith.addf %dot_general3A_5, %add3A : vector<2000x512xf32>
    %swap3A = arith.constant 0 : index
    %swap3A_10 = arith.constant 0 : index
    %swap3A_11 = vector.load %arg4[%swap3A, %swap3A_10] : memref<2000x512xf32, #tpu.memory_space<vmem>>, vector<2000x512xf32>
    tpu.vector_store %arg4[%swap3A, %swap3A_10], %add3A_9 {strides = array<i32>} : memref<2000x512xf32, #tpu.memory_space<vmem>>, vector<2000x512xf32>,
    return
  }
  func.func @transform_0(%arg0: i32) -> (i32, i32) {
    %c0_i32 = arith.constant 0 : i32
    %c0_i32_0 = arith.constant 0 : i32
    return %arg0, %c0_i32 : i32, i32
  }
  func.func @transform_1(%arg0: i32) -> (i32, i32) {
    %c0_i32 = arith.constant 0 : i32
    %c0_i32_0 = arith.constant 0 : i32
    %c0_i32_1 = arith.constant 0 : i32
    return %c0_i32, %c0_i32_0 : i32, i32
  }
  func.func @transform_2(%arg0: i32) -> (i32, i32) {
    %c0_i32 = arith.constant 0 : i32
    %c0_i32_0 = arith.constant 0 : i32
    %c0_i32_1 = arith.constant 0 : i32
    return %c0_i32, %c0_i32_0 : i32, i32
  }
  func.func @transform_3(%arg0: i32) -> (i32, i32) {
    %c0_i32 = arith.constant 0 : i32
    %c0_i32_0 = arith.constant 0 : i32
    return %arg0, %c0_i32 : i32, i32
  }
}

module attributes {stable_mosaic.version = 14 : i64} {
  func.func @_ce_body(%arg0: i32, %arg1: memref<3200x128xf32, #tpu.memory_space<vmem>>, %arg2: memref<128x128xf32, #tpu.memory_space<vmem>>, %arg3: memref<8x128xf32, #tpu.memory_space<vmem>>, %arg4: memref<3200x128xf32, #tpu.memory_space<vmem>>) attributes {dimension_semantics = [#tpu.dimension_semantics<arbitrary>], iteration_bounds = array<i64: 100>, scalar_prefetch = 0 : i64, scratch_operands = 0 : i64, tpu.core_type = #tpu.core_type<tc>, window_params = [{transform_indices = @transform_0, window_bounds = array<i64: 3200, 128>}, {pipeline_mode = #tpu.pipeline_mode<synchronous>, transform_indices = @transform_1, window_bounds = array<i64: 128, 128>}, {pipeline_mode = #tpu.pipeline_mode<synchronous>, transform_indices = @transform_2, window_bounds = array<i64: 8, 128>}, {transform_indices = @transform_3, window_bounds = array<i64: 3200, 128>}]} {
    %get3A = arith.constant 0 : index
    %get3A_0 = arith.constant 0 : index
    %get3A_1 = vector.load %arg1[%get3A, %get3A_0] : memref<3200x128xf32, #tpu.memory_space<vmem>>, vector<3200x128xf32>
    %get3A_2 = arith.constant 0 : index
    %get3A_3 = arith.constant 0 : index
    %get3A_4 = vector.load %arg2[%get3A_2, %get3A_3] : memref<128x128xf32, #tpu.memory_space<vmem>>, vector<128x128xf32>
    %dot_general3A = arith.constant dense<0.000000e+00> : vector<3200x128xf32>
    %dot_general3A_5 = tpu.matmul %get3A_1, %get3A_4, %dot_general3A {dimension_numbers = #tpu.dot_dimension_numbers<[1], [0], [0], [1], [0, 0, 1, 1], [], []>, transpose_lhs_hint = false} : vector<3200x128xf32>, vector<128x128xf32>, vector<3200x128xf32> -> vector<3200x128xf32>
    %get3A_6 = arith.constant 0 : index
    %get3A_7 = arith.constant 0 : index
    %get3A_8 = vector.load %arg3[%get3A_6, %get3A_7] : memref<8x128xf32, #tpu.memory_space<vmem>>, vector<1x128xf32>
    %add3A = vector.broadcast %get3A_8 : vector<1x128xf32> to vector<3200x128xf32>
    %add3A_9 = arith.addf %dot_general3A_5, %add3A : vector<3200x128xf32>
    %swap3A = arith.constant 0 : index
    %swap3A_10 = arith.constant 0 : index
    %swap3A_11 = vector.load %arg4[%swap3A, %swap3A_10] : memref<3200x128xf32, #tpu.memory_space<vmem>>, vector<3200x128xf32>
    tpu.vector_store %arg4[%swap3A, %swap3A_10], %add3A_9 {strides = array<i32>} : memref<3200x128xf32, #tpu.memory_space<vmem>>, vector<3200x128xf32>,
    return
  }
  func.func @transform_0(%arg0: i32) -> (i32, i32) {
    %c0_i32 = arith.constant 0 : i32
    %c0_i32_0 = arith.constant 0 : i32
    return %arg0, %c0_i32 : i32, i32
  }
  func.func @transform_1(%arg0: i32) -> (i32, i32) {
    %c0_i32 = arith.constant 0 : i32
    %c0_i32_0 = arith.constant 0 : i32
    %c0_i32_1 = arith.constant 0 : i32
    return %c0_i32, %c0_i32_0 : i32, i32
  }
  func.func @transform_2(%arg0: i32) -> (i32, i32) {
    %c0_i32 = arith.constant 0 : i32
    %c0_i32_0 = arith.constant 0 : i32
    %c0_i32_1 = arith.constant 0 : i32
    return %c0_i32, %c0_i32_0 : i32, i32
  }
  func.func @transform_3(%arg0: i32) -> (i32, i32) {
    %c0_i32 = arith.constant 0 : i32
    %c0_i32_0 = arith.constant 0 : i32
    return %arg0, %c0_i32 : i32, i32
  }
}

module attributes {stable_mosaic.version = 14 : i64} {
  func.func @_final_body(%arg0: i32, %arg1: memref<2000x128xf32, #tpu.memory_space<vmem>>, %arg2: memref<2000x128xf32, #tpu.memory_space<vmem>>, %arg3: memref<2000x128xf32, #tpu.memory_space<vmem>>, %arg4: memref<8x128xf32, #tpu.memory_space<vmem>>, %arg5: memref<8x128xf32, #tpu.memory_space<vmem>>, %arg6: memref<2000x128xf32, #tpu.memory_space<vmem>>) attributes {dimension_semantics = [#tpu.dimension_semantics<arbitrary>], iteration_bounds = array<i64: 5>, scalar_prefetch = 0 : i64, scratch_operands = 0 : i64, tpu.core_type = #tpu.core_type<tc>, window_params = [{transform_indices = @transform_0, window_bounds = array<i64: 2000, 128>}, {transform_indices = @transform_1, window_bounds = array<i64: 2000, 128>}, {transform_indices = @transform_2, window_bounds = array<i64: 2000, 128>}, {pipeline_mode = #tpu.pipeline_mode<synchronous>, transform_indices = @transform_3, window_bounds = array<i64: 8, 128>}, {pipeline_mode = #tpu.pipeline_mode<synchronous>, transform_indices = @transform_4, window_bounds = array<i64: 8, 128>}, {transform_indices = @transform_5, window_bounds = array<i64: 2000, 128>}]} {
    %get3A = arith.constant 0 : index
    %get3A_0 = arith.constant 0 : index
    %get3A_1 = vector.load %arg1[%get3A, %get3A_0] : memref<2000x128xf32, #tpu.memory_space<vmem>>, vector<2000x128xf32>
    %get3A_2 = arith.constant 0 : index
    %get3A_3 = arith.constant 0 : index
    %get3A_4 = vector.load %arg2[%get3A_2, %get3A_3] : memref<2000x128xf32, #tpu.memory_space<vmem>>, vector<2000x128xf32>
    %get3A_5 = arith.constant 0 : index
    %get3A_6 = arith.constant 0 : index
    %get3A_7 = vector.load %arg3[%get3A_5, %get3A_6] : memref<2000x128xf32, #tpu.memory_space<vmem>>, vector<2000x128xf32>
    %add3A = arith.constant 9.99999997E-7 : f32
    %add3A_8 = vector.broadcast %add3A : f32 to vector<2000x128xf32>
    %add3A_9 = arith.addf %get3A_7, %add3A_8 : vector<2000x128xf32>
    %div3A = arith.divf %get3A_4, %add3A_9 : vector<2000x128xf32>
    %add3A_10 = arith.addf %get3A_1, %div3A : vector<2000x128xf32>
    %get3A_11 = arith.constant 0 : index
    %get3A_12 = arith.constant 0 : index
    %get3A_13 = vector.load %arg4[%get3A_11, %get3A_12] : memref<8x128xf32, #tpu.memory_space<vmem>>, vector<1x128xf32>
    %mul3A = vector.broadcast %get3A_13 : vector<1x128xf32> to vector<2000x128xf32>
    %mul3A_14 = arith.mulf %add3A_10, %mul3A : vector<2000x128xf32>
    %get3A_15 = arith.constant 0 : index
    %get3A_16 = arith.constant 0 : index
    %get3A_17 = vector.load %arg5[%get3A_15, %get3A_16] : memref<8x128xf32, #tpu.memory_space<vmem>>, vector<1x128xf32>
    %add3A_18 = vector.broadcast %get3A_17 : vector<1x128xf32> to vector<2000x128xf32>
    %add3A_19 = arith.addf %mul3A_14, %add3A_18 : vector<2000x128xf32>
    %max3A = arith.constant 0.000000e+00 : f32
    %max3A_20 = vector.broadcast %max3A : f32 to vector<2000x128xf32>
    %max3A_21 = arith.maximumf %add3A_19, %max3A_20 : vector<2000x128xf32>
    %swap3A = arith.constant 0 : index
    %swap3A_22 = arith.constant 0 : index
    %swap3A_23 = vector.load %arg6[%swap3A, %swap3A_22] : memref<2000x128xf32, #tpu.memory_space<vmem>>, vector<2000x128xf32>
    tpu.vector_store %arg6[%swap3A, %swap3A_22], %max3A_21 {strides = array<i32>} : memref<2000x128xf32, #tpu.memory_space<vmem>>, vector<2000x128xf32>,
    return
  }
  func.func @transform_0(%arg0: i32) -> (i32, i32) {
    %c0_i32 = arith.constant 0 : i32
    %c0_i32_0 = arith.constant 0 : i32
    return %arg0, %c0_i32 : i32, i32
  }
  func.func @transform_1(%arg0: i32) -> (i32, i32) {
    %c0_i32 = arith.constant 0 : i32
    %c0_i32_0 = arith.constant 0 : i32
    return %arg0, %c0_i32 : i32, i32
  }
  func.func @transform_2(%arg0: i32) -> (i32, i32) {
    %c0_i32 = arith.constant 0 : i32
    %c0_i32_0 = arith.constant 0 : i32
    return %arg0, %c0_i32 : i32, i32
  }
  func.func @transform_3(%arg0: i32) -> (i32, i32) {
    %c0_i32 = arith.constant 0 : i32
    %c0_i32_0 = arith.constant 0 : i32
    %c0_i32_1 = arith.constant 0 : i32
    return %c0_i32, %c0_i32_0 : i32, i32
  }
  func.func @transform_4(%arg0: i32) -> (i32, i32) {
    %c0_i32 = arith.constant 0 : i32
    %c0_i32_0 = arith.constant 0 : i32
    %c0_i32_1 = arith.constant 0 : i32
    return %c0_i32, %c0_i32_0 : i32, i32
  }
  func.func @transform_5(%arg0: i32) -> (i32, i32) {
    %c0_i32 = arith.constant 0 : i32
    %c0_i32_0 = arith.constant 0 : i32
    return %arg0, %c0_i32 : i32, i32
  }
}

</mosaic_0001>

<sc_bundles>
// kernel: kernel.6.cloned.1.call-start
scs
__scs_entry_jumppad:
0x0: {  	(pc) =	sbr.rel $0x88, $3  }
0x1: {  	(tag) =	ssettag $0x0;
	lr =	simm.s32 $0x1  }
0x2: {  	[smem:$0x3F8C] =	sst lr;
	_ =	strace $0xD0000000  }
0x3: {  	_ = 	snop  }
0x4: {  	_ = 	snop  }
0x5: {  	_ = 	snop  }
0x6: {  	_ = 	snop  }
0x7: {  	_ = 	snop  }
__scs_overlays_trampoline_lowered:
0x8: {  	[smem:$0x3F9B] =	sst s0  }
0x9: {  	[smem:$0x3F9C] =	sst s1  }
0xa: {  	[smem:$0x3F9D] =	sst s2  }
0xb: {  	[smem:$0x3F9E] =	sst s3  }
0xc: {  	[smem:$0x3F9F] =	sst s4  }
0xd: {  	[smem:$0x3FA0] =	sst s5  }
0xe: {  	[smem:$0x3FA1] =	sst s6  }
0xf: {  	[smem:$0x3FA2] =	sst s7  }
0x10: {  	[smem:$0x3FA3] =	sst s8  }
0x11: {  	[smem:$0x3FA4] =	sst s9;
	s0 =	simm.s32 @!p0 $0x0  }
0x12: {  	s1 =	sld [smem:$0x3F8A];
	s0 =	simm.s32 @p0 $0x1  }
0x13: {  	[smem:$0x3FA5] =	sst s0;
	s0 =	simm.s32 @!p1 $0x0  }
0x14: {  	s2 =	sld [smem:$0x3F89];
	s0 =	simm.s32 @p1 $0x1  }
0x15: {  	[smem:$0x3FA6] =	sst s0;
	s0 =	simm.s32 @!p2 $0x0  }
0x16: {  	s3 =	sld [smem:$0x3FDB];
	s0 =	simm.s32 @p2 $0x1  }
0x17: {  	s4 =	simm.s32 $0x1BF5;
	[smem:$0x3FA8] =	sst s0  }
0x18: {  	s0 =	sld [smem:$0x3F8B];
	_ =	swait.ge [sflag:s4], $0x0  }
0x19: {  	s7 =	sld [smem:$0x3F8C]  }
0x1a: {  	s8 =	sadd.s32 $0xFFFFE003, lr  }
0x1b: {  	s9 =	sadd.s32 $0xFFFFFEF7, lr;
	s5 =	simm.s32 $0xFFFFFFFF;
	p2 =	slt.u32 s8, $0xFFFFF086  }
0x1c: {  	p1 =	slt.u32 s9, $0xF7A;
	s5 =	simm.s32 @!p2 $0x0  }
0x1d: {  	s5 =	simm.s32 @p1 $0x1;
	p0 =	seq.s32 s7, s2  }
0x1e: {  	s7 =	smul.u32 @!p0 $0xF7A, s2;
	p2 =	seq.s32 @!p0 s5, $0x0  }
0x1f: {  	s9 =	smul.u32 $0xF7A, s1;
	s8 =	simm.s32 @!p0 $0x1BF5;
	p2 =	por !p2, p0  }
0x20: {  	[sflag:s8] =	ssyncset.s32 @!p0 $0xFFFFF086;
	s6 =	sadd.s32 @!p0 s3, s7;
	s7 =	simm.s32 @!p0 $0x108  }
0x21: {  	s3 =	sadd.s32 s3, s9;
	s6 =	sadd.s32 @!p0 $0x88, s6;
	s7 =	simm.s32 @p2 $0x1082  }
0x22: {  	[simem:s7], [sflag:s8] =	dma.local @!p0 [hbm:s6], $0xF7A  }
0x23: {  	s9 =	sor.u32 $0xD0000000, s2;
	s6 =	simm.s32 $0x108;
	_ =	swait.ge @!p0 [sflag:s8], $0x0  }
0x24: {  	s3 =	sadd.s32 $0x88, s3;
	s6 =	simm.s32 @!p1 $0x1082;
	[sflag:s4] =	ssyncset.s32 $0xFFFFF086  }
0x25: {  	[simem:s6], [sflag:s4] =	dma.local [hbm:s3], $0xF7A  }
0x26: {  	[smem:$0x3F8C] =	sst s1;
	(tag) =	ssettag s2;
	_ =	strace s9  }
0x27: {  	s1 =	sld [smem:$0x3F9C]  }
0x28: {  	s2 =	sld [smem:$0x3F9D]  }
0x29: {  	s4 =	sld [smem:$0x3F9F]  }
0x2a: {  	p0 =	seq.s32 s5, $0x0;
	s5 =	sld [smem:$0x3FA0]  }
0x2b: {  	s6 =	sld [smem:$0x3FA1]  }
0x2c: {  	s7 =	sld [smem:$0x3FA2]  }
0x2d: {  	s3 =	simm.s32 $0x108;
	s8 =	sld [smem:$0x3FA3]  }
0x2e: {  	s3 =	simm.s32 @!p0 $0x1082;
	s9 =	sld [smem:$0x3FA4]  }
0x2f: {  	lr =	sadd.s32 s0, s3;
	s0 =	sld [smem:$0x3F9B]  }
0x30: {  	s3 =	sld [smem:$0x3F9E]  }
0x31: {  	[smem:$0x3FA7] =	sst s10  }
0x32: {  	s10 =	sld [smem:$0x3FA5];
	_ =	sdelay $0x3  }
0x33: {  	p0 =	seq.s32 s10, $0x1;
	s10 =	sld [smem:$0x3FA7];
	_ =	sdelay $0x3  }
0x34: {  	[smem:$0x3FA7] =	sst s10  }
0x35: {  	s10 =	sld [smem:$0x3FA6];
	_ =	sdelay $0x3  }
0x36: {  	p1 =	seq.s32 s10, $0x1;
	s10 =	sld [smem:$0x3FA7];
	_ =	sdelay $0x3  }
0x37: {  	[smem:$0x3FA7] =	sst s10  }
0x38: {  	s10 =	sld [smem:$0x3FA8]  }
0x39: {  	_ = 	snop;
	(pc) =	sbr.ind lr, $3  }
0x3a: {  	_ = 	snop  }
0x3b: {  	_ = 	snop  }
0x3c: {  	p2 =	seq.s32 s10, $0x1;
	s10 =	sld [smem:$0x3FA7]  }
0x3d: {  	_ =	shalt  }
0x3e: {  	_ =	shalt  }
0x3f: {  	_ =	shalt  }
0x40: {  	_ =	shalt  }
0x41: {  	_ =	shalt  }
0x42: {  	_ =	shalt  }
0x43: {  	_ =	shalt  }
0x44: {  	_ =	shalt  }
0x45: {  	_ =	shalt  }
0x46: {  	_ =	shalt  }
0x47: {  	_ =	shalt  }
0x48: {  	_ =	shalt  }
0x49: {  	_ =	shalt  }
0x4a: {  	_ =	shalt  }
0x4b: {  	_ =	shalt  }
0x4c: {  	_ =	shalt  }
0x4d: {  	_ =	shalt  }
0x4e: {  	_ =	shalt  }
0x4f: {  	_ =	shalt  }
0x50: {  	_ =	shalt  }
0x51: {  	_ =	shalt  }
0x52: {  	_ =	shalt  }
0x53: {  	_ =	shalt  }
0x54: {  	_ =	shalt  }
0x55: {  	_ =	shalt  }
0x56: {  	_ =	shalt  }
0x57: {  	_ =	shalt  }
0x58: {  	_ =	shalt  }
0x59: {  	_ =	shalt  }
0x5a: {  	_ =	shalt  }
0x5b: {  	_ =	shalt  }
0x5c: {  	_ =	shalt  }
0x5d: {  	_ =	shalt  }
0x5e: {  	_ =	shalt  }
0x5f: {  	_ =	shalt  }
0x60: {  	_ =	shalt  }
0x61: {  	_ =	shalt  }
0x62: {  	_ =	shalt  }
0x63: {  	_ =	shalt  }
0x64: {  	_ =	shalt  }
0x65: {  	_ =	shalt  }
0x66: {  	_ =	shalt  }
0x67: {  	_ =	shalt  }
0x68: {  	_ =	shalt  }
0x69: {  	_ =	shalt  }
0x6a: {  	_ =	shalt  }
0x6b: {  	_ =	shalt  }
0x6c: {  	_ =	shalt  }
0x6d: {  	_ =	shalt  }
0x6e: {  	_ =	shalt  }
0x6f: {  	_ =	shalt  }
0x70: {  	_ =	shalt  }
0x71: {  	_ =	shalt  }
0x72: {  	_ =	shalt  }
0x73: {  	_ =	shalt  }
0x74: {  	_ =	shalt  }
0x75: {  	_ =	shalt  }
0x76: {  	_ =	shalt  }
0x77: {  	_ =	shalt  }
0x78: {  	_ =	shalt  }
0x79: {  	_ =	shalt  }
0x7a: {  	_ =	shalt  }
0x7b: {  	_ =	shalt  }
0x7c: {  	_ =	shalt  }
0x7d: {  	_ =	shalt  }
0x7e: {  	_ =	shalt  }
0x7f: {  	_ =	shalt  }
0x80: {  	_ =	shalt  }
0x81: {  	_ =	shalt  }
0x82: {  	_ =	shalt  }
0x83: {  	_ =	shalt  }
0x84: {  	_ =	shalt  }
0x85: {  	_ =	shalt  }
0x86: {  	_ =	shalt  }
0x87: {  	_ =	shalt  }
.Lfunc_end0:
.L_simem_size_0:
called_computation_lowered:
.L_overlay_start_0:
0x88: {  	s2 =	sld [smem:$0x3FD9]  }
0x89: {  	s3 =	sld [smem:$0x3FFE];
	_ =	sdelay $0x1  }
0x8a: {  	s1 =	srdreg.scid  }
0x8b: {  	s0 =	sand.u32 $0x1, s1  }
0x8c: {  	s14 =	sshll.u32 s0, $0xA;
	s2 =	sadd.s32 s3, s2  }
0x8d: {  	s2 =	sadd.s32 s2, s14  }
0x8e: {  	[smem:$0x3FB3] =	sst s2  }
0x8f: {  	_ = 	snop  }
0x90: {  	s2 =	sld [smem:$0x3FD0];
	_ =	sdelay $0x2  }
0x91: {  	s15 =	simm.s32 $0xA;
	s4 =	simm.s32 $0x10  }
0x92: {  	[smem:s4], [sflag:s15] =	dma.local [hbm:s2], $0x1  }
0x93: {  	_ =	swait.eq [sflag:s15], $0x1  }
0x94: {  	[sflag:s15] =	ssyncset.done $0x0  }
0x95: {  	s16 =	sld [smem:$0x10];
	[sflag:s15] =	ssyncadd.s32 $0xFFFFFFFF  }
0x96: {  	s17 =	sld [smem:$0x11];
	(tm) =	ssettm $0x1  }
0x97: {  	s18 =	sld [smem:$0x3FFB];
	_ =	sdelay $0x3  }
0x98: {  	_ =	strace s18  }
0x99: {  	s4 =	sld [smem:$0x3FFC];
	_ =	sdelay $0x3  }
0x9a: {  	_ =	strace s4  }
0x9b: {  	s4 =	sld [smem:$0x3FFD];
	_ =	sdelay $0x3  }
0x9c: {  	_ =	strace s4  }
0x9d: {  	_ =	strace $0x8FFFFFFF  }
0x9e: {  	s19 =	sld [smem:$0x3FDB];
	_ =	sdelay $0x1  }
0x9f: {  	s5 =	simm.s32 $_scs_section_size  }
0xa0: {  	s6 =	simm.s32 $_size__tile_overlayer_lowered;
	s7 =	simm.s32 $_tile_overlayer_lowered  }
0xa1: {  	s22 =	simm.s32 $0x1BFF;
	s21 =	sshll.u32 s7, $0x1;
	s4 =	sadd.s32 s5, s19  }
0xa2: {  	s8 =	simm.s32 $0x0;
	s20 =	sshll.u32 s6, $0x1;
	s6 =	sadd.s32 s21, s4  }
0xa3: {  	[timem:s8], [sflag:s22] =	dma.local [hbm:s6], s20  }
0xa4: {  	_ =	swait.ge [sflag:s22], s20  }
0xa5: {  	s5 =	ssub.s32 $0x0, s20;
	[sflag:s22] =	ssyncset.done $0x0  }
0xa6: {  	[sflag:s22] =	ssyncadd.s32 s5;
	_ =	sdelay $0x1  }
0xa7: {  	s23 =	simm.s32 $0x1B8B  }
0xa8: {  	_ =	swait.ge [sflag:s23], $0x1  }
0xa9: {  	[sflag:s23] =	ssyncset.done $0x0  }
0xaa: {  	s25 =	simm.s32 $0x1B8E;
	s24 =	sld [smem:$0x3FFE];
	[sflag:s23] =	ssyncadd.s32 $0xFFFFFFFF  }
0xab: {  	s26 =	simm.s32 $execute0_lowered;
	[smem:$0x3FD2] =	sst s25  }
0xac: {  	s6 =	sshll.u32 s26, $0x1;
	_ =	strace $0x80000046;
	[dreg:$0x1] =	wrdreg $0xFFFFFFFF  }
0xad: {  	s28 =	simm.s32 $_size_execute0_lowered;
	s4 =	sadd.s32 s4, s6;
	[dreg:$0x0] =	wrdreg $0x0  }
0xae: {  	s6 =	sshll.u32 s28, $0x1;
	[dreg:$0x2] =	wrdreg s4  }
0xaf: {  	[dreg:$0x3] =	wrdreg s6  }
0xb0: {  	[dreg:$0x4] =	wrdreg $0xC0  }
0xb1: {  	_ =	task [dreg:s8], $0x5FFFF  }
0xb2: {  	[dreg:$0x1] =	wrdreg $0xFFFFFFFF  }
0xb3: {  	[dreg:$0x0] =	wrdreg $0x60  }
0xb4: {  	[dreg:$0x2] =	wrdreg s24  }
0xb5: {  	[dreg:$0x3] =	wrdreg s17  }
0xb6: {  	[dreg:$0x4] =	wrdreg s16  }
0xb7: {  	[dreg:$0x5] =	wrdreg $0x61400  }
0xb8: {  	[dreg:$0x6] =	wrdreg $0x9  }
0xb9: {  	_ =	task.clear_ibuf [dreg:s8], $0x7FFFF;
	_ =	strace $0x90000046  }
0xba: {  	s29 =	simm.s32 $0x9;
	_ =	strace $0x80000048  }
0xbb: {  	_ =	swait.ge [sflag:s29], $0x1  }
0xbc: {  	[sflag:s29] =	ssyncadd.s32 $0xFFFFFFFF  }
0xbd: {  	_ =	strace $0x90000048  }
0xbe: {  	_ =	sfence  }
0xbf: {  	s30 =	sld [smem:$0x0];
	_ =	sdelay $0x2  }
0xc0: {  	s31 =	sshll.u32 s1, $0xD;
	s1 =	sshrl.u32 s1, $0x2  }
0xc1: {  	s3 =	sand.u32 $0x4000, s31;
	s1 =	sadd.s32 s1, s30  }
0xc2: {  	s0 =	sor.u32 s3, s0;
	s1 =	sshll.u32 s1, $0x11  }
0xc3: {  	s0 =	sor.u32 s1, s0  }
0xc4: {  	s0 =	sadd.s32 $0x8F2B, s0  }
0xc5: {  	[sflag:s0] =	ssyncadd.remote.s32 $0x1  }
0xc6: {  	_ =	sfence.sel $0xFFFF  }
0xc7: {  	[dreg:$0x0] =	wrdreg $0xFFFFFFFF;
	(pc) =	sbr.abs _section_cstart, $3  }
0xc8: {  	[dreg:$0x1] =	wrdreg $0xFFFFFFFF  }
0xc9: {  	_ =	task.clear_ibuf [dreg:s8], $0x2FFFF;
	_ =	strace $0x9FFFFFFF  }
0xca: {  	(tm) =	ssettm $0x7FFFFFFF  }
0xcb: {  	_ =	shalt  }
tec
execute0_lowered:
.L_overlay_start_1:
0x0: {  	(tag) =	ssettag $0x1  }
0x1: {  	s0 =	rddreg [dreg:$0x0]  }
0x2: {  	s2 =	rddreg [dreg:$0x1]  }
0x3: {  	s8 =	rddreg [dreg:$0x2]  }
0x4: {  	s1 =	rddreg [dreg:$0x3]  }
0x5: {  	s3 =	simm.s32 $0x0;
	s14 =	srdreg.scid;
	s28 =	simm.s32 $0x4140  }
0x6: {  	s29 =	simm.s32 $0x4;
	s30 =	simm.s32 $0x40;
	s31 =	simm.s32 $0x140  }
0x7: {  	[smem:$0x7FF] =	sst s3;
	s4 =	sadd.s32 $0x5BCE00, s0;
	s9 =	sand.u32 $0x1, s14  }
0x8: {  	s3 =	stileid.u32;
	s5 =	sadd.s32 $0xA0000, s0;
	s7 =	sadd.s32 $0xC7200, s0  }
0x9: {  	_ =	strace $0x80000047;
	s10 =	sshll.u32 s9, $0x3;
	s15 =	smul.u32 $0x4E200, s3  }
0xa: {  	s11 =	smul.u32 $0x13880, s3;
	s13 =	sshll.u32 s9, $0x4;
	p0 =	seq.s32 s9, $0x1  }
0xb: {  	s16 =	ssub.s32 $0x2, s9;
	s13 =	sadd.s32 s13, s0;
	s15 =	sshrl.u32 s15, $0x2  }
0xc: {  	s12 =	sadd.s32 s10, s0;
	s13 =	sadd.s32 $0xDAC00, s13;
	s19 =	sadd.s32 s15, s1  }
0xd: {  	s18 =	sshrl.u32 s16, $0x1;
	[dreg:$0x5] =	wrdreg s13;
	s15 =	sadd.s32 $0x2000, s19  }
0xe: {  	s16 =	ssub.s32 s16, s18;
	s18 =	sadd.s32 $0x4000, s19;
	[dreg:$0x6] =	wrdreg s15  }
0xf: {  	s14 =	sor.u32 $0x40, s11;
	s20 =	sadd.s32 $0x6000, s19;
	[dreg:$0x7] =	wrdreg s18  }
0x10: {  	s6 =	sadd.s32 s11, s1;
	s21 =	sadd.s32 $0x8000, s19;
	[dreg:$0x8] =	wrdreg s20  }
0x11: {  	s11 =	smov.u32 @p0 s14;
	s22 =	sadd.s32 $0xA000, s19;
	[dreg:$0x9] =	wrdreg s21  }
0x12: {  	s11 =	sshrl.u32 s11, $0x3;
	s23 =	sadd.s32 $0xC000, s19;
	[dreg:$0xa] =	wrdreg s22  }
0x13: {  	s24 =	sadd.s32 $0xE000, s19;
	s25 =	sadd.s32 $0x10000, s19;
	[dreg:$0xb] =	wrdreg s23  }
0x14: {  	s26 =	sadd.s32 $0x12000, s19;
	s17 =	sadd.s32 s11, s0;
	[dreg:$0xd] =	wrdreg s24  }
0x15: {  	s15 =	sadd.s32 s10, s2;
	s2 =	sadd.s32 $0x40, s6;
	[dreg:$0xe] =	wrdreg s25  }
0x16: {  	s10 =	sadd.s32 s14, s1;
	s8 =	sadd.s32 s8, s11;
	[dreg:$0xf] =	wrdreg s26  }
0x17: {  	s20 =	sadd.s32 $0xD0E40, s0;
	s21 =	smax.u32 s16, $0x1;
	s22 =	sadd.s32 $0xDAE00, s12  }
.Ltmp0:
0x18: {  	s26 =	simm.s32 $0x3;
	s0 =	simm.s32 $0x80;
	(pc) =	sbr.rel .LBB2_1-.Ltmp0, $4  }
0x19: {  	s25 =	simm.s32 $0x3140;
	s11 =	simm.s32 $0x0;
	[dreg:$0xc] =	wrdreg s8  }
0x1a: {  	s2 =	smov.u32 @p0 s10;
	p0 =	seq.s32 s9, $0x0;
	s9 =	smul.u32 $0x2710, s9  }
0x1b: {  	s23 =	sadd.s32 $0x60B000, s17;
	s8 =	simm.s32 $0x1;
	s10 =	simm.s32 $0x10  }
0x1c: {  	v1 =	vimm.f32 $0.0e+00;
	s24 =	sshrl.u32 s2, $0x3;
	s2 =	simm.s32 $0x2140;
	v0 =	vmov s9;
	s9 =	simm.s32 $0x2  }
.LBB2_9:
0x1d: {  	s12 =	sshll.u32 s3, $0x6;
	[bflag:$0x0] =	sbarrier.arrive $0xFFFF  }
0x1e: {  	s13 =	sshrl.u32 s6, $0x3;
	s12 =	sor.u32 $0x1C03, s12;
	s14 =	rddreg [dreg:$0xc]  }
0x1f: {  	[hbm:s14@s10], [sflag:s12] =	dma.strided [spmem:s13@s10], $0x1388, s8, $0x8   }
0x20: {  	s11 =	sadd.s32 $0x1, s11;
	_ =	swait.ge [sflag:s26], $0x1388  }
0x21: {  	p1 =	sne.s32 s11, s21;
	[sflag:s26] =	ssyncset.done $0x0  }
.Ltmp1:
0x22: {  	[sflag:s26] =	ssyncadd.s32 $0xFFFFEC78;
	(pc) =	sbr.rel @!p1 .LBB2_10-.Ltmp1, $4  }
0x23: {  	[hbm:s23@s10], [sflag:s12] =	dma.strided [spmem:s24@s10], $0x1388, s8, $0x8   }
0x24: {  	_ =	swait.ge [sflag:s26], $0x1388  }
0x25: {  	[sflag:s26] =	ssyncset.done $0x0  }
0x26: {  	[sflag:s26] =	ssyncadd.s32 $0xFFFFEC78  }
.LBB2_1:
0x27: {  	s12 =	simm.s32 $0x0;
	s13 =	rddreg [dreg:$0x5];
	s14 =	simm.s32 $0xC0  }
0x28: {  	[tilespmem:s14], [sflag:$0x3] =	stream.linear.gather [hbm4b:s13+s12], $0x80, $0x38;
	[tilespmem:$0x199C0] =	vst v63  }
0x29: {  	_ =	swait.ge [sflag:s26], $0x80  }
0x2a: {  	[sflag:s26] =	ssyncset.done $0x0  }
0x2b: {  	s12 =	simm.s32 $0x0;
	s13 =	simm.s32 $0x200;
	[sflag:s26] =	ssyncadd.s32 $0xFFFFFF80  }
.LBB2_2:
0x2c: {  	p1 =	sne.s32 s13, $0x7E00;
	[tilespmem:s12+$0x41B0] =	vst v1  }
0x2d: {  	[tilespmem:s12+$0x4140] =	vst v1  }
0x2e: {  	[tilespmem:s12+$0x4150] =	vst v1  }
.Ltmp2:
0x2f: {  	[tilespmem:s12+$0x4160] =	vst v1;
	(pc) =	sbr.rel @p1 .LBB2_2-.Ltmp2, $4  }
0x30: {  	[tilespmem:s12+$0x4170] =	vst v1  }
0x31: {  	[tilespmem:s12+$0x4180] =	vst v1  }
0x32: {  	[tilespmem:s12+$0x4190] =	vst v1  }
0x33: {  	[tilespmem:s12+$0x41A0] =	vst v1;
	s12 =	sshra.s32 s13, $0x2;
	s13 =	sadd.s32 $0x200, s13  }
0x34: {  	[tilespmem:s12+$0x41B0] =	vst v1  }
0x35: {  	[tilespmem:s12+$0x4140] =	vst v1  }
0x36: {  	[tilespmem:s12+$0x4150] =	vst v1  }
0x37: {  	[tilespmem:s12+$0x4160] =	vst v1  }
0x38: {  	[tilespmem:s12+$0x4170] =	vst v1  }
0x39: {  	[tilespmem:s12+$0x4180] =	vst v1  }
0x3a: {  	[tilespmem:s12+$0x4190] =	vst v1  }
0x3b: {  	[tilespmem:s12+$0x41A0] =	vst v1  }
0x3c: {  	[spmem:s6] =	stream.linear.scatter [tilespmem:s28], [sflag:$0x3], $0x2000, $0x38;
	[tilespmem:$0x199C0] =	vst v63  }
0x3d: {  	_ =	swait.ge [sflag:s26], $0x2000  }
0x3e: {  	[sflag:s26] =	ssyncset.done $0x0  }
0x3f: {  	s17 =	rddreg [dreg:$0x6];
	[sflag:s26] =	ssyncadd.s32 $0xFFFFE000  }
0x40: {  	[spmem:s17] =	stream.linear.scatter [tilespmem:s28], [sflag:$0x3], $0x2000, $0x38;
	[tilespmem:$0x199C0] =	vst v63  }
0x41: {  	_ =	swait.ge [sflag:s26], $0x2000  }
0x42: {  	[sflag:s26] =	ssyncset.done $0x0  }
0x43: {  	s18 =	rddreg [dreg:$0x7];
	[sflag:s26] =	ssyncadd.s32 $0xFFFFE000  }
0x44: {  	[spmem:s18] =	stream.linear.scatter [tilespmem:s28], [sflag:$0x3], $0x2000, $0x38;
	[tilespmem:$0x199C0] =	vst v63  }
0x45: {  	_ =	swait.ge [sflag:s26], $0x2000  }
0x46: {  	[sflag:s26] =	ssyncset.done $0x0  }
0x47: {  	s19 =	rddreg [dreg:$0x8];
	[sflag:s26] =	ssyncadd.s32 $0xFFFFE000  }
0x48: {  	[spmem:s19] =	stream.linear.scatter [tilespmem:s28], [sflag:$0x3], $0x2000, $0x38;
	[tilespmem:$0x199C0] =	vst v63  }
0x49: {  	_ =	swait.ge [sflag:s26], $0x2000  }
0x4a: {  	[sflag:s26] =	ssyncset.done $0x0  }
0x4b: {  	s13 =	rddreg [dreg:$0x9];
	[sflag:s26] =	ssyncadd.s32 $0xFFFFE000  }
0x4c: {  	[spmem:s13] =	stream.linear.scatter [tilespmem:s28], [sflag:$0x3], $0x2000, $0x38;
	[tilespmem:$0x199C0] =	vst v63  }
0x4d: {  	_ =	swait.ge [sflag:s26], $0x2000  }
0x4e: {  	[sflag:s26] =	ssyncset.done $0x0  }
0x4f: {  	s14 =	rddreg [dreg:$0xa];
	[sflag:s26] =	ssyncadd.s32 $0xFFFFE000  }
0x50: {  	[spmem:s14] =	stream.linear.scatter [tilespmem:s28], [sflag:$0x3], $0x2000, $0x38;
	[tilespmem:$0x199C0] =	vst v63  }
0x51: {  	_ =	swait.ge [sflag:s26], $0x2000  }
0x52: {  	[sflag:s26] =	ssyncset.done $0x0  }
0x53: {  	s16 =	rddreg [dreg:$0xb];
	[sflag:s26] =	ssyncadd.s32 $0xFFFFE000  }
0x54: {  	[spmem:s16] =	stream.linear.scatter [tilespmem:s28], [sflag:$0x3], $0x2000, $0x38;
	[tilespmem:$0x199C0] =	vst v63  }
0x55: {  	_ =	swait.ge [sflag:s26], $0x2000  }
0x56: {  	[sflag:s26] =	ssyncset.done $0x0  }
0x57: {  	s17 =	rddreg [dreg:$0xd];
	[sflag:s26] =	ssyncadd.s32 $0xFFFFE000  }
0x58: {  	[spmem:s17] =	stream.linear.scatter [tilespmem:s28], [sflag:$0x3], $0x2000, $0x38;
	[tilespmem:$0x199C0] =	vst v63  }
0x59: {  	_ =	swait.ge [sflag:s26], $0x2000  }
0x5a: {  	[sflag:s26] =	ssyncset.done $0x0  }
0x5b: {  	s18 =	rddreg [dreg:$0xe];
	[sflag:s26] =	ssyncadd.s32 $0xFFFFE000  }
0x5c: {  	[spmem:s18] =	stream.linear.scatter [tilespmem:s28], [sflag:$0x3], $0x2000, $0x38;
	[tilespmem:$0x199C0] =	vst v63  }
0x5d: {  	_ =	swait.ge [sflag:s26], $0x2000  }
0x5e: {  	[sflag:s26] =	ssyncset.done $0x0  }
0x5f: {  	s19 =	rddreg [dreg:$0xf];
	[sflag:s26] =	ssyncadd.s32 $0xFFFFE000  }
0x60: {  	[spmem:s19] =	stream.linear.scatter [tilespmem:s28], [sflag:$0x3], $0x1880, $0x38;
	[tilespmem:$0x199C0] =	vst v63  }
0x61: {  	_ =	swait.ge [sflag:s26], $0x1880  }
0x62: {  	[sflag:s26] =	ssyncset.done $0x0  }
0x63: {  	[sflag:s26] =	ssyncadd.s32 $0xFFFFE780  }
0x64: {  	[bflag:$0x0] =	sbarrier.arrive $0xFFFF  }
0x65: {  	v2 =	vld [tilespmem:$0xC0]  }
0x66: {  	v3 =	vld [tilespmem:$0xD0]  }
0x67: {  	v4 =	vld [tilespmem:$0xE0]  }
.Ltmp3:
0x68: {  	v5 =	vld [tilespmem:$0xF0];
	(pc) =	sbr.rel .LBB2_4-.Ltmp3, $4  }
0x69: {  	v6 =	vld [tilespmem:$0x100]  }
0x6a: {  	v7 =	vld [tilespmem:$0x110]  }
0x6b: {  	v8 =	vld [tilespmem:$0x120]  }
0x6c: {  	s12 =	simm.s32 $0x0;
	v9 =	vld [tilespmem:$0x130]  }
.LBB2_8:
0x6d: {  	s12 =	sadd.s32 $0x1, s12  }
0x6e: {  	p1 =	sne.s32 s12, $0x139  }
.Ltmp4:
0x6f: {  	_ = 	snop;
	(pc) =	sbr.rel @!p1 .LBB2_9-.Ltmp4, $1  }
0x70: {  	_ =	sdelay $0x3  }
.LBB2_4:
0x71: {  	s13 =	sshll.u32 s12, $0x4  }
0x72: {  	s13 =	sor.u32 s3, s13  }
0x73: {  	p1 =	sgt.u32 s13, $0x1387  }
.Ltmp5:
0x74: {  	_ = 	snop;
	(pc) =	sbr.rel @p1 .LBB2_8-.Ltmp5, $1  }
0x75: {  	_ =	sdelay $0x3  }
0x76: {  	s14 =	sshll.u32 s13, $0x3  }
0x77: {  	s17 =	simm.s32 $0x0;
	s16 =	sadd.s32 s7, s14  }
0x78: {  	[tilespmem:s17], [sflag:$0x4] =	stream.linear.gather [hbm4b:s16+s17], $0x40, $0x38;
	[tilespmem:$0x199C0] =	vst v63  }
0x79: {  	_ =	swait.ge [sflag:s29], $0x40  }
0x7a: {  	[sflag:s29] =	ssyncset.done $0x0  }
0x7b: {  	s14 =	sadd.s32 s14, s20;
	[sflag:s29] =	ssyncadd.s32 $0xFFFFFFC0  }
0x7c: {  	[tilespmem:s30], [sflag:$0x4] =	stream.linear.gather [hbm4b:s14+s17], $0x40, $0x38;
	[tilespmem:$0x199C0] =	vst v63  }
0x7d: {  	_ =	swait.ge [sflag:s29], $0x40  }
0x7e: {  	[sflag:s29] =	ssyncset.done $0x0  }
0x7f: {  	[sflag:s29] =	ssyncadd.s32 $0xFFFFFFC0  }
0x80: {  	v10 =	vld [tilespmem:$0x0]  }
0x81: {  	v11 =	vld [tilespmem:$0x40]  }
0x82: {  	v12 =	vld [tilespmem:$0x10]  }
0x83: {  	v13 =	vld [tilespmem:$0x50]  }
0x84: {  	v14 =	vld [tilespmem:$0x20]  }
0x85: {  	v15 =	vld [tilespmem:$0x60];
	v10 =	vadd.s32 v0, v10  }
0x86: {  	[tilespmem:$0x0] =	vst v10;
	v10 =	vadd.s32 v0, v11;
	v11 =	vld [tilespmem:$0x30]  }
0x87: {  	v59 =	vld [tilespmem:$0x70];
	[tilespmem:$0x80] =	vst v10;
	v10 =	vadd.s32 v0, v12  }
0x88: {  	[tilespmem:$0x10] =	vst v10;
	v10 =	vadd.s32 v0, v13  }
0x89: {  	[tilespmem:$0x90] =	vst v10;
	v10 =	vadd.s32 v0, v14  }
0x8a: {  	[tilespmem:$0x20] =	vst v10;
	v10 =	vadd.s32 v0, v15  }
0x8b: {  	[tilespmem:$0xA0] =	vst v10;
	v10 =	vadd.s32 v0, v11  }
0x8c: {  	[tilespmem:$0x30] =	vst v10;
	v10 =	vadd.s32 v0, v59  }
0x8d: {  	[tilespmem:$0xB0] =	vst v10  }
0x8e: {  	[tilespmem:s31], [sflag:$0x1] =	stream.indirect.gather [hbm4b:s4+s30], $0x80, s17, s30, $0xb8;
	[tilespmem:$0x199C0] =	vst v63  }
0x8f: {  	s13 =	sshll.u32 s13, $0xA  }
0x90: {  	[tilespmem:s2], [sflag:$0x2] =	stream.indirect.gather [hbm4b:s5+s30], $0x40, s0, s30, $0xb8;
	[tilespmem:$0x199C0] =	vst v63  }
0x91: {  	s18 =	sadd.s32 s22, s13  }
0x92: {  	[tilespmem:s25], [sflag:$0x4] =	stream.strided.gather [hbm4b:s18+s30], $0x1000, s0, s30, $0x38;
	[tilespmem:$0x199C0] =	vst v63  }
0x93: {  	_ =	swait.ge [sflag:s29], $0x1000  }
0x94: {  	[sflag:s29] =	ssyncset.done $0x0  }
0x95: {  	[sflag:s29] =	ssyncadd.s32 $0xFFFFF000  }
0x96: {  	_ =	swait.ge [sflag:s8], $0x2000  }
0x97: {  	[sflag:s8] =	ssyncset.done $0x0  }
0x98: {  	[sflag:s8] =	ssyncadd.s32 $0xFFFFE000  }
0x99: {  	_ =	swait.ge [sflag:s9], $0x1000  }
0x9a: {  	[sflag:s9] =	ssyncset.done $0x0  }
0x9b: {  	s19 =	simm.s32 $0x0;
	[sflag:s9] =	ssyncadd.s32 $0xFFFFF000  }
0x9c: {  	s14 =	simm.s32 $0x180;
	v10 =	vld [tilespmem:s19+$0x3140]  }
0x9d: {  	v11 =	vld [tilespmem:s14+$0xFFFFFFC0];
	_ =	sdelay $0x1  }
0x9e: {  	v60 =	vld [tilespmem:s19+$0x2140];
	_ =	sdelay $0x2  }
0x9f: {  	v10 =	vadd.f32 v11, v10;
	_ =	sdelay $0x1  }
0xa0: {  	v10 =	vadd.f32 v60, v10;
	_ =	sdelay $0x1  }
0xa1: {  	v11 =	vsub.f32 $0.0e+00, v10;
	_ =	sdelay $0x1  }
0xa2: {  	v11 =	vmul.f32 $1.442695020e+00, v11;
	_ =	sdelay $0x1  }
0xa3: {  	(erf) = vpow2.f32 v11;
	_ =	sdelay $0x8  }
0xa4: {  	v11 =	vpop (erf)  }
0xa5: {  	v11 =	vadd.f32 $1.000000000e+00, v11  }
0xa6: {  	v10 =	vmul.f32 v10, v2  }
0xa7: {  	(erf) = vrcp.f32 v11  }
0xa8: {  	v10 =	vadd.f32 v10, v6;
	_ =	sdelay $0x1  }
0xa9: {  	v10 =	vmax.f32 v10, $0.0e+00  }
0xaa: {  	[tilespmem:s19+$0x3140] =	vst v10  }
0xab: {  	v10 =	vld [tilespmem:s14+$0x0];
	_ =	sdelay $0x3  }
0xac: {  	v11 =	vpop (erf)  }
0xad: {  	s16 =	simm.s32 $0x4180;
	v10 =	vmul.f32 v11, v10  }
0xae: {  	[tilespmem:s16+$0x0] =	vst v11  }
0xaf: {  	[tilespmem:s16+$0xFFFFFFC0] =	vst v10  }
0xb0: {  	v10 =	vld [tilespmem:s19+$0x3150]  }
0xb1: {  	v11 =	vld [tilespmem:s14+$0xFFFFFFD0];
	_ =	sdelay $0x1  }
0xb2: {  	v61 =	vld [tilespmem:s19+$0x2150];
	_ =	sdelay $0x2  }
0xb3: {  	v10 =	vadd.f32 v11, v10;
	_ =	sdelay $0x1  }
0xb4: {  	v10 =	vadd.f32 v61, v10;
	_ =	sdelay $0x1  }
0xb5: {  	v11 =	vsub.f32 $0.0e+00, v10;
	_ =	sdelay $0x1  }
0xb6: {  	v11 =	vmul.f32 $1.442695020e+00, v11;
	_ =	sdelay $0x1  }
0xb7: {  	(erf) = vpow2.f32 v11;
	_ =	sdelay $0x8  }
0xb8: {  	v11 =	vpop (erf)  }
0xb9: {  	v11 =	vadd.f32 $1.000000000e+00, v11  }
0xba: {  	v10 =	vmul.f32 v10, v3  }
0xbb: {  	(erf) = vrcp.f32 v11  }
0xbc: {  	v10 =	vadd.f32 v10, v7;
	_ =	sdelay $0x1  }
0xbd: {  	v10 =	vmax.f32 v10, $0.0e+00  }
0xbe: {  	[tilespmem:s19+$0x3150] =	vst v10  }
0xbf: {  	v10 =	vld [tilespmem:s14+$0x10];
	_ =	sdelay $0x3  }
0xc0: {  	v11 =	vpop (erf)  }
0xc1: {  	v10 =	vmul.f32 v11, v10  }
0xc2: {  	[tilespmem:s16+$0x10] =	vst v11  }
0xc3: {  	[tilespmem:s16+$0xFFFFFFD0] =	vst v10  }
0xc4: {  	v10 =	vld [tilespmem:s14+$0xFFFFFFE0]  }
0xc5: {  	v11 =	vld [tilespmem:s19+$0x3160];
	_ =	sdelay $0x1  }
0xc6: {  	v62 =	vld [tilespmem:s19+$0x2160];
	_ =	sdelay $0x2  }
0xc7: {  	v10 =	vadd.f32 v10, v11;
	_ =	sdelay $0x1  }
0xc8: {  	v10 =	vadd.f32 v62, v10;
	_ =	sdelay $0x1  }
0xc9: {  	v11 =	vsub.f32 $0.0e+00, v10;
	_ =	sdelay $0x1  }
0xca: {  	v11 =	vmul.f32 $1.442695020e+00, v11;
	_ =	sdelay $0x1  }
0xcb: {  	(erf) = vpow2.f32 v11;
	_ =	sdelay $0x8  }
0xcc: {  	v11 =	vpop (erf)  }
0xcd: {  	v11 =	vadd.f32 $1.000000000e+00, v11  }
0xce: {  	v10 =	vmul.f32 v10, v4  }
0xcf: {  	(erf) = vrcp.f32 v11  }
0xd0: {  	v10 =	vadd.f32 v10, v8;
	_ =	sdelay $0x1  }
0xd1: {  	v10 =	vmax.f32 v10, $0.0e+00  }
0xd2: {  	[tilespmem:s19+$0x3160] =	vst v10  }
0xd3: {  	v10 =	vld [tilespmem:s14+$0x20];
	_ =	sdelay $0x3  }
0xd4: {  	v11 =	vpop (erf)  }
0xd5: {  	v10 =	vmul.f32 v11, v10  }
0xd6: {  	[tilespmem:s16+$0x20] =	vst v11  }
0xd7: {  	[tilespmem:s16+$0xFFFFFFE0] =	vst v10  }
0xd8: {  	v10 =	vld [tilespmem:s19+$0x3170]  }
0xd9: {  	v11 =	vld [tilespmem:s14+$0xFFFFFFF0];
	_ =	sdelay $0x1  }
0xda: {  	v63 =	vld [tilespmem:s19+$0x2170];
	_ =	sdelay $0x2  }
0xdb: {  	v10 =	vadd.f32 v11, v10;
	_ =	sdelay $0x1  }
0xdc: {  	v10 =	vadd.f32 v63, v10;
	_ =	sdelay $0x1  }
0xdd: {  	v11 =	vsub.f32 $0.0e+00, v10;
	_ =	sdelay $0x1  }
0xde: {  	v11 =	vmul.f32 $1.442695020e+00, v11;
	_ =	sdelay $0x1  }
0xdf: {  	(erf) = vpow2.f32 v11;
	_ =	sdelay $0x5  }
0xe0: {  	v10 =	vmul.f32 v10, v5;
	_ =	sdelay $0x1  }
0xe1: {  	v10 =	vadd.f32 v10, v9  }
0xe2: {  	v11 =	vpop (erf)  }
0xe3: {  	v10 =	vmax.f32 v10, $0.0e+00;
	v11 =	vadd.f32 $1.000000000e+00, v11  }
0xe4: {  	[tilespmem:s19+$0x3170] =	vst v10  }
0xe5: {  	s17 =	simm.s32 $0x4180;
	s18 =	simm.s32 $0x100;
	v10 =	vld [tilespmem:s14+$0x30];
	(erf) = vrcp.f32 v11  }
.LBB2_6:
0xe6: {  	_ =	sdelay $0x6  }
0xe7: {  	p1 =	sne.s32 s18, $0x3F00;
	s16 =	sadd.s32 $0x80, s16;
	s14 =	sadd.s32 $0x80, s14  }
0xe8: {  	s19 =	smov.u32 s18;
	s18 =	sadd.s32 $0x100, s18;
	v11 =	vpop (erf)  }
0xe9: {  	v10 =	vmul.f32 v11, v10;
	[tilespmem:s17+$0x30] =	vst v11;
	_ =	sdelay $0x1  }
0xea: {  	s19 =	sshra.s32 s19, $0x2;
	[tilespmem:s17+$0xFFFFFFF0] =	vst v10;
	s17 =	smov.u32 s16  }
0xeb: {  	v10 =	vld [tilespmem:s19+$0x3140]  }
0xec: {  	v11 =	vld [tilespmem:s14+$0xFFFFFFC0];
	_ =	sdelay $0x1  }
0xed: {  	v12 =	vld [tilespmem:s19+$0x2140];
	_ =	sdelay $0x2  }
0xee: {  	v10 =	vadd.f32 v11, v10;
	_ =	sdelay $0x1  }
0xef: {  	v10 =	vadd.f32 v12, v10;
	_ =	sdelay $0x1  }
0xf0: {  	v11 =	vsub.f32 $0.0e+00, v10;
	v10 =	vmul.f32 v10, v2;
	_ =	sdelay $0x1  }
0xf1: {  	v11 =	vmul.f32 $1.442695020e+00, v11;
	v10 =	vadd.f32 v10, v6;
	_ =	sdelay $0x1  }
0xf2: {  	v10 =	vmax.f32 v10, $0.0e+00;
	(erf) = vpow2.f32 v11;
	_ =	sdelay $0x8  }
0xf3: {  	v11 =	vpop (erf)  }
0xf4: {  	v11 =	vadd.f32 $1.000000000e+00, v11;
	_ =	sdelay $0x1  }
0xf5: {  	(erf) = vrcp.f32 v11;
	_ =	sdelay $0x3  }
0xf6: {  	[tilespmem:s19+$0x3140] =	vst v10  }
0xf7: {  	v10 =	vld [tilespmem:s14+$0x0];
	_ =	sdelay $0x3  }
0xf8: {  	v11 =	vpop (erf)  }
0xf9: {  	v10 =	vmul.f32 v11, v10;
	[tilespmem:s16+$0x0] =	vst v11;
	_ =	sdelay $0x1  }
0xfa: {  	[tilespmem:s16+$0xFFFFFFC0] =	vst v10  }
0xfb: {  	v10 =	vld [tilespmem:s19+$0x3150]  }
0xfc: {  	v11 =	vld [tilespmem:s14+$0xFFFFFFD0];
	_ =	sdelay $0x1  }
0xfd: {  	v12 =	vld [tilespmem:s19+$0x2150];
	_ =	sdelay $0x2  }
0xfe: {  	v10 =	vadd.f32 v11, v10;
	_ =	sdelay $0x1  }
0xff: {  	v10 =	vadd.f32 v12, v10;
	_ =	sdelay $0x1  }
0x100: {  	v11 =	vsub.f32 $0.0e+00, v10;
	v10 =	vmul.f32 v10, v3;
	_ =	sdelay $0x1  }
0x101: {  	v11 =	vmul.f32 $1.442695020e+00, v11;
	v10 =	vadd.f32 v10, v7;
	_ =	sdelay $0x1  }
0x102: {  	v10 =	vmax.f32 v10, $0.0e+00;
	(erf) = vpow2.f32 v11;
	_ =	sdelay $0x8  }
0x103: {  	v11 =	vpop (erf)  }
0x104: {  	v11 =	vadd.f32 $1.000000000e+00, v11;
	_ =	sdelay $0x1  }
0x105: {  	(erf) = vrcp.f32 v11;
	_ =	sdelay $0x3  }
0x106: {  	[tilespmem:s19+$0x3150] =	vst v10  }
0x107: {  	v10 =	vld [tilespmem:s14+$0x10];
	_ =	sdelay $0x3  }
0x108: {  	v11 =	vpop (erf)  }
0x109: {  	v10 =	vmul.f32 v11, v10;
	[tilespmem:s16+$0x10] =	vst v11;
	_ =	sdelay $0x1  }
0x10a: {  	[tilespmem:s16+$0xFFFFFFD0] =	vst v10  }
0x10b: {  	v10 =	vld [tilespmem:s14+$0xFFFFFFE0]  }
0x10c: {  	v11 =	vld [tilespmem:s19+$0x3160]  }
0x10d: {  	v12 =	vld [tilespmem:s19+$0x2160];
	_ =	sdelay $0x3  }
0x10e: {  	v10 =	vadd.f32 v10, v11;
	_ =	sdelay $0x1  }
0x10f: {  	v10 =	vadd.f32 v12, v10;
	_ =	sdelay $0x1  }
0x110: {  	v11 =	vsub.f32 $0.0e+00, v10;
	v10 =	vmul.f32 v10, v4;
	_ =	sdelay $0x1  }
0x111: {  	v11 =	vmul.f32 $1.442695020e+00, v11;
	v10 =	vadd.f32 v10, v8;
	_ =	sdelay $0x1  }
0x112: {  	v10 =	vmax.f32 v10, $0.0e+00;
	(erf) = vpow2.f32 v11  }
0x113: {  	[tilespmem:s19+$0x3160] =	vst v10  }
0x114: {  	v10 =	vld [tilespmem:s14+$0x20];
	_ =	sdelay $0x6  }
0x115: {  	v11 =	vpop (erf)  }
0x116: {  	v11 =	vadd.f32 $1.000000000e+00, v11;
	_ =	sdelay $0x1  }
0x117: {  	(erf) = vrcp.f32 v11;
	_ =	sdelay $0x8  }
0x118: {  	v11 =	vpop (erf)  }
0x119: {  	v10 =	vmul.f32 v11, v10;
	[tilespmem:s16+$0x20] =	vst v11;
	_ =	sdelay $0x1  }
0x11a: {  	[tilespmem:s16+$0xFFFFFFE0] =	vst v10  }
0x11b: {  	v10 =	vld [tilespmem:s19+$0x3170]  }
0x11c: {  	v11 =	vld [tilespmem:s14+$0xFFFFFFF0]  }
0x11d: {  	v12 =	vld [tilespmem:s19+$0x2170];
	_ =	sdelay $0x3  }
0x11e: {  	v10 =	vadd.f32 v11, v10;
	_ =	sdelay $0x1  }
0x11f: {  	v10 =	vadd.f32 v12, v10;
	_ =	sdelay $0x1  }
0x120: {  	v11 =	vsub.f32 $0.0e+00, v10;
	v10 =	vmul.f32 v10, v5;
	_ =	sdelay $0x1  }
0x121: {  	v11 =	vmul.f32 $1.442695020e+00, v11;
	v10 =	vadd.f32 v10, v9;
	_ =	sdelay $0x1  }
0x122: {  	v10 =	vmax.f32 v10, $0.0e+00;
	(erf) = vpow2.f32 v11  }
0x123: {  	[tilespmem:s19+$0x3170] =	vst v10  }
0x124: {  	v10 =	vld [tilespmem:s14+$0x30];
	_ =	sdelay $0x5  }
.Ltmp6:
0x125: {  	(pc) =	sbr.rel @p1 .LBB2_6-.Ltmp6, $3  }
0x126: {  	v11 =	vpop (erf)  }
0x127: {  	v11 =	vadd.f32 $1.000000000e+00, v11;
	_ =	sdelay $0x1  }
0x128: {  	(erf) = vrcp.f32 v11  }
0x129: {  	_ =	sdelay $0x7  }
0x12a: {  	v11 =	vpop (erf)  }
0x12b: {  	v10 =	vmul.f32 v11, v10  }
0x12c: {  	[tilespmem:s17+$0x30] =	vst v11  }
0x12d: {  	[tilespmem:s17+$0xFFFFFFF0] =	vst v10  }
0x12e: {  	[spmem:s1] =	stream.indirect.scatter.add.f32 [tilespmem:s28], [sflag:$0x4], $0x80, s30, s30, $0xb8;
	[tilespmem:$0x199C0] =	vst v63  }
0x12f: {  	_ =	swait.ge [sflag:s29], $0x2000  }
0x130: {  	s14 =	simm.s32 $0x4;
	s13 =	sadd.s32 s15, s13;
	[sflag:s29] =	ssyncset.done $0x0  }
.Ltmp7:
0x131: {  	s14 =	simm.s32 @!p0 $0x3;
	[sflag:s29] =	ssyncadd.s32 $0xFFFFE000;
	(pc) =	sbr.rel .LBB2_8-.Ltmp7, $4  }
0x132: {  	[hbm4b:s13+s30] =	stream.strided.scatter [tilespmem:s25], [sflag:s14], $0x1000, s0, s30, $0x38;
	[tilespmem:$0x199C0] =	vst v63  }
0x133: {  	_ =	swait.ge [sflag:s14], $0x1000  }
0x134: {  	[sflag:s14] =	ssyncset.done $0x0  }
0x135: {  	[sflag:s14] =	ssyncadd.s32 $0xFFFFF000  }
.LBB2_10:
0x136: {  	_ =	sfence.sel $0x180000  }
0x137: {  	[bflag:$0x0] =	sbarrier.arrive $0xFFFF  }
0x138: {  	_ =	strace $0x90000047  }
0x139: {  	[bflag:$0x2] =	sbarrier.arrive $0xFFFF  }
0x13a: {  	p0 =	sne.s32 s3, $0x0;
	s0 =	rddreg [dreg:$0x4]  }
0x13b: {  	s0 =	sadd.s32 @!p0 $0x100000, s0  }
0x13c: {  	[sflag:s0] =	ssyncadd.tile.s32 @!p0 $0x1;
	_ =	shalt  }
.Lfunc_end2:
_tile_overlayer_lowered:
.L_overlay_start_2:
0x13d: {  	(tag) =	ssettag $0x2  }
0x13e: {  	s0 =	rddreg [dreg:$0x0];
	s2 =	stileid.u32  }
0x13f: {  	s1 =	rddreg [dreg:$0x1];
	p0 =	sne.s32 s2, $0x0  }
0x140: {  	s3 =	rddreg [dreg:$0x2];
	[bflag:$0x3] =	sbarrier.arrive $0xFFFF;
	s2 =	simm.s32 @!p0 $0x1C03  }
0x141: {  	[timem:s3], [sflag:s2] =	dma.local @!p0 [hbm:s0], s1  }
0x142: {  	s0 =	simm.s32 @!p0 $0x3  }
0x143: {  	_ =	swait.ge @!p0 [sflag:s0], s1  }
0x144: {  	s1 =	ssub.s32 @!p0 $0x0, s1;
	[sflag:s0] =	ssyncset.done @!p0 $0x0  }
0x145: {  	[sflag:s0] =	ssyncadd.s32 @!p0 s1  }
0x146: {  	[bflag:$0x3] =	sbarrier.arrive $0xFFFF  }
0x147: {  	_ =	shalt  }

</sc_bundles>
